<compile_context>
chip_gen: v7x
topology: tpu7x:2x2x1
jax: 0.10.2.dev20260603
libtpu: 0.0.44.dev20260713+nightly
codegen_flags: <defaults>
</compile_context>

<pallas_src>
import functools

import jax
import jax.numpy as jnp
from jax import lax
from jax.experimental import pallas as pl
from jax.experimental.pallas import tpu as pltpu
from jax.experimental.pallas import tpu_sc as plsc

B = 1024
T = 50
L = 20
D = 32
V = 1000002

_NC = 2
_NS = 16
_NW = _NC * _NS
_UPW = B // _NW
_IPU = T * L
_IPAD = 1024
_NCHUNK = _IPAD // 128
_TP = 52
_KT = _TP // 4


def _sc_pool_body(xp_hbm, len_hbm, table_hbm, out_hbm,
                  idx_v, rows_v, pooled_v, lens_v, sem):
    w = lax.axis_index("s") * _NC + lax.axis_index("c")
    pltpu.sync_copy(len_hbm, lens_v)
    lane = w % 16
    sel = lax.broadcasted_iota(jnp.int32, (16,), 0) == lane

    def user_len(u):
        base = (w - lane) + _NW * u
        lv = lens_v[pl.ds(base, 16)]
        return jnp.sum(jnp.where(sel, lv, 0))

    def n_chunks(ln):
        return (ln * L + 127) // 128

    def stage(u, buf):
        b = w + _NW * u
        pltpu.sync_copy(xp_hbm.at[b], idx_v.at[buf])
        nc = n_chunks(user_len(u))

        def fire(c, carry):
            pltpu.async_copy(
                table_hbm.at[idx_v.at[buf, c]],
                rows_v.at[buf, pl.ds(c * 128, 128)],
                sem,
            )
            return carry

        lax.fori_loop(0, nc, fire, 0)

    stage(0, 0)

    def user_body(u, carry):
        buf = lax.rem(u, 2)
        ln = user_len(u)

        def drain(c, carry2):
            pltpu.make_async_copy(
                table_hbm.at[pl.ds(0, 128)],
                rows_v.at[buf, pl.ds(0, 128)],
                sem,
            ).wait()
            return carry2

        lax.fori_loop(0, n_chunks(ln), drain, 0)

        @pl.when(u + 1 < _UPW)
        def _():
            stage(u + 1, 1 - buf)

        def t_body(t, c2):
            base = t * L
            for half in range(2):
                acc = rows_v[buf, base, pl.ds(16 * half, 16)]
                for l in range(1, L):
                    acc = jnp.maximum(
                        acc, rows_v[buf, base + l, pl.ds(16 * half, 16)])
                pooled_v[pl.ds(t * D + 16 * half, 16)] = acc
            return c2

        lax.fori_loop(0, ln, t_body, 0)
        pltpu.sync_copy(pooled_v, out_hbm.at[w + _NW * u])
        return carry

    lax.fori_loop(0, _UPW, user_body, 0)


@functools.cache
def _get_sc_pool():
    return pl.kernel(
        _sc_pool_body,
        out_type=jax.ShapeDtypeStruct((B, _TP * D), jnp.float32),
        mesh=plsc.VectorSubcoreMesh(core_axis_name="c", subcore_axis_name="s"),
        scratch_types=[
            pltpu.VMEM((2, _NCHUNK, 128), jnp.int32),
            pltpu.VMEM((2, _IPAD, D), jnp.float32),
            pltpu.VMEM((_TP * D,), jnp.float32),
            pltpu.VMEM((B,), jnp.int32),
            pltpu.SemaphoreType.DMA,
        ],
        compiler_params=pltpu.CompilerParams(use_tc_tiling_on_sc=False, needs_layout_passes=False),
    )


_CDT = 4096
_NBLK = 62
_VPAD = _NBLK * 4 * _CDT


def _detile_body(tt_ref, out_ref):
    x = tt_ref[...]
    stk = jnp.concatenate(
        [x[:, q * _CDT:(q + 1) * _CDT] for q in range(4)], axis=0)
    out_ref[...] = jnp.transpose(stk)


_detile_call = pl.pallas_call(
    _detile_body,
    grid=(_NBLK,),
    in_specs=[pl.BlockSpec((D, 4 * _CDT), lambda k: (0, k))],
    out_specs=pl.BlockSpec((_CDT, 128), lambda k: (k, 0)),
    out_shape=jax.ShapeDtypeStruct((_VPAD // 4, 128), jnp.float32),
)


def _permute_idx(i):
    blk = i >> 14
    return (blk << 14) | ((i & (_CDT - 1)) << 2) | ((i >> 12) & 3)


def _gru_body(xs_ref, len_ref, h0_ref, wi_ref, wh_ref, bi_ref, bh_ref,
              out_ref, hu_ref):
    wi = wi_ref[...]
    wh = wh_ref[...]
    bi = bi_ref[...]
    bh = bh_ref[...]
    lens = len_ref[...]

    def step4(k, h):
        x4 = xs_ref[:, k, :]
        outs = []
        for q in range(4):
            t = 4 * k + q
            xt = x4[:, D * q:D * (q + 1)]
            gi = jnp.dot(xt, wi, preferred_element_type=jnp.float32) + bi
            gh = jnp.dot(h, wh, preferred_element_type=jnp.float32) + bh
            r = jax.nn.sigmoid(gi[:, 0:D] + gh[:, 0:D])
            z = jax.nn.sigmoid(gi[:, D:2 * D] + gh[:, D:2 * D])
            n = jnp.tanh(gi[:, 2 * D:3 * D] + r * gh[:, 2 * D:3 * D])
            h_new = (1.0 - z) * n + z * h
            valid = lens > t
            outs.append(jnp.where(valid, h_new, 0.0))
            h = jnp.where(valid, h_new, h)
        out_ref[:, k, :] = jnp.concatenate(outs, axis=1)
        return h

    h = lax.fori_loop(0, _KT, step4, h0_ref[...])
    hu_ref[...] = h


_gru_call = pl.pallas_call(
    _gru_body,
    out_shape=[
        jax.ShapeDtypeStruct((B, _KT, 128), jnp.float32),
        jax.ShapeDtypeStruct((B, D), jnp.float32),
    ],
    compiler_params=pltpu.CompilerParams(vmem_limit_bytes=100 * 1024 * 1024),
)


def kernel(x, lengths, hidden, table, W_ih, W_hh, b_ih, b_hh):
    x = _permute_idx(x.astype(jnp.int32))
    xp = jnp.pad(x.reshape(B, T * L), ((0, 0), (0, _IPAD - _IPU)))
    xp = xp.reshape(B, _NCHUNK, 128)
    lens32 = lengths.astype(jnp.int32)
    tbl_lin = _detile_call(table.T).reshape(_VPAD, D)
    ub = _get_sc_pool()(xp, lens32, tbl_lin)
    lens = lens32.reshape(B, 1)
    outs, h = _gru_call(ub.reshape(B, _KT, 128), lens, hidden[0],
                        W_ih.T, W_hh.T,
                        b_ih.reshape(1, -1), b_hh.reshape(1, -1))
    return outs.reshape(B, _TP, D)[:, :T, :], h[None]

# --- scband reference (transcript-rebuilt; emitter-appended) ---
"""Pipeline reference for scband-drmodel-65472481460952 (READ-ONLY COPY).

The authoritative reference and input builder live on the scoring server;
editing this copy changes nothing except your own understanding.
"""

import jax, jax.numpy as jnp
import numpy as np

B = 1024   # users
T = 50     # baskets per user (padded)
L = 20     # items per basket (padded)
D = 32     # embedding_dim == hidden_size
V = 1000002  # num_product + 2
NL = 1     # rnn_layer_num


def setup_inputs(seed: int = 0) -> dict:
    key = jax.random.key(seed)
    k1, k2, k3, k4, k5, k6, k7 = jax.random.split(key, 7)
    x = jax.random.randint(k1, (B, T, L), 0, V).astype(jnp.int64) if jax.config.jax_enable_x64 else jax.random.randint(k1, (B, T, L), 0, V)
    # pack_padded_sequence requires descending lengths, min length 1
    lengths = jnp.sort(jax.random.randint(k2, (B,), 1, T + 1))[::-1]
    hidden = jnp.zeros((NL, B, D), dtype=jnp.float32)
    # embedding table (replaces embedding_layer.npy), padding_idx=0 row is zero
    table = (jax.random.uniform(k3, (V, D), minval=-0.1, maxval=0.1)).astype(jnp.float32)
    table = table.at[0].set(0.0)
    s = 1.0 / np.sqrt(D)
    W_ih = jax.random.uniform(k4, (3 * D, D), minval=-s, maxval=s).astype(jnp.float32)
    W_hh = jax.random.uniform(k5, (3 * D, D), minval=-s, maxval=s).astype(jnp.float32)
    b_ih = jax.random.uniform(k6, (3 * D,), minval=-s, maxval=s).astype(jnp.float32)
    b_hh = jax.random.uniform(k7, (3 * D,), minval=-s, maxval=s).astype(jnp.float32)
    return {"x": x, "lengths": lengths, "hidden": hidden, "table": table,
            "W_ih": W_ih, "W_hh": W_hh, "b_ih": b_ih, "b_hh": b_hh}


def reference(x, lengths, hidden, table, W_ih, W_hh, b_ih, b_hh):
    # 1. embedding lookup: [B, T, L, D]  (memory-bound gather from 1M-row table)
    emb = jnp.take(table, x, axis=0)
    # 2. basket max-pool over items -> [B, T, D]  (pool_max, dim=1 per basket)
    ub_seqs = jnp.max(emb, axis=2)
    # 3. single-layer GRU over basket sequence, honoring lengths like
    #    pack_padded_sequence / pad_packed_sequence (outputs past length are 0,
    #    h_u is the hidden state at each sequence's last valid step)
    h0 = hidden[0]

    def step(h, inp):
        xt, t = inp  # xt: [B, D]
        gi = xt @ W_ih.T + b_ih
        gh = h @ W_hh.T + b_hh
        i_r, i_z, i_n = jnp.split(gi, 3, axis=-1)
        h_r, h_z, h_n = jnp.split(gh, 3, axis=-1)
        r = jax.nn.sigmoid(i_r + h_r)
        z = jax.nn.sigmoid(i_z + h_z)
        n = jnp.tanh(i_n + r * h_n)
        h_new = (1.0 - z) * n + z * h
        valid = (t < lengths)[:, None]
        h_next = jnp.where(valid, h_new, h)
        out_t = jnp.where(valid, h_new, 0.0)
        return h_next, out_t

    xs = jnp.transpose(ub_seqs, (1, 0, 2))  # [T, B, D]
    ts = jnp.arange(T)
    h_final, outs = jax.lax.scan(step, h0, (xs, ts))
    dynamic_user = jnp.transpose(outs, (1, 0, 2))  # [B, T, D]
    h_u = h_final[None]  # [NL, B, D]
    return dynamic_user, h_u


if False:  # reference __main__ guard neutralized (emitter)
    out = reference(**setup_inputs())
    print(out[0].shape, out[1].shape)

if __name__ == "__main__":
    import jax
    _d = setup_inputs()
    print(jax.jit(kernel)(*tuple(_d.values())))

</pallas_src>

<mosaic_0001>
#map = affine_map<(d0, d1) -> (0, 0, 0)>
#map1 = affine_map<(d0, d1) -> (0)>
#map2 = affine_map<(d0, d1) -> (0, 0)>
module attributes {stable_mosaic.version = 14 : i64} {
  func.func @_sc_pool_body(%arg0: i32, %arg1: i32, %arg2: memref<1024x8x128xi32, #tpu.memory_space<hbm>>, %arg3: memref<1024xi32, #tpu.memory_space<hbm>>, %arg4: memref<1015808x32xf32, #tpu.memory_space<hbm>>, %arg5: memref<1024x1664xf32, #tpu.memory_space<hbm>>, %arg6: memref<2x8x128xi32, #tpu.memory_space<vmem>>, %arg7: memref<2x1024x32xf32, #tpu.memory_space<vmem>>, %arg8: memref<1664xf32, #tpu.memory_space<vmem>>, %arg9: memref<1024xi32, #tpu.memory_space<vmem>>, %arg10: memref<!tpu.dma_semaphore, #tpu.memory_space<semaphore_mem>>) attributes {dimension_semantics = [#tpu.dimension_semantics<core_parallel>, #tpu.dimension_semantics<subcore_parallel>], iteration_bounds = array<i64: 2, 16>, scalar_prefetch = 0 : i64, scratch_operands = 5 : i64, tpu.core_type = #tpu.core_type<sc_vector_subcore>, window_params = [{transform_indices = #map}, {transform_indices = #map1}, {transform_indices = #map2}, {transform_indices = #map2}]} {
    %mul3A = arith.constant 2 : i32
    %mul3A_0 = arith.muli %arg1, %mul3A : i32
    %add3A = arith.addi %mul3A_0, %arg0 : i32
    "tpu.region"() ({
      %run_scoped3A_62 = tpu.sem_alloc : memref<!tpu.dma_semaphore, #tpu.memory_space<semaphore_mem>>
      tpu.enqueue_dma source(%arg3 : memref<1024xi32, #tpu.memory_space<hbm>>) target(%arg9 : memref<1024xi32, #tpu.memory_space<vmem>>) target_semaphore(%run_scoped3A_62 : memref<!tpu.dma_semaphore, #tpu.memory_space<semaphore_mem>>)
      tpu.wait_dma2 semaphore(%run_scoped3A_62 : memref<!tpu.dma_semaphore, #tpu.memory_space<semaphore_mem>>) src(%arg3 : memref<1024xi32, #tpu.memory_space<hbm>>) dst(%arg9 : memref<1024xi32, #tpu.memory_space<vmem>>)
      tpu.yield
    }) : () -> ()
    %jit3A = arith.constant 16 : i32
    %eq3A = arith.constant 0 : i32
    %eq3A_1 = arith.cmpi eq, %jit3A, %eq3A : i32
    %jit3A_2 = arith.constant 1 : i32
    %select_n3A = arith.select %eq3A_1, %jit3A_2, %jit3A : i32
    %rem3A = arith.remsi %add3A, %select_n3A : i32
    %ne3A = arith.constant 0 : i32
    %ne3A_3 = arith.cmpi ne, %rem3A, %ne3A : i32
    %lt3A = arith.constant 0 : i32
    %lt3A_4 = arith.cmpi slt, %rem3A, %lt3A : i32
    %lt3A_5 = arith.constant 0 : i32
    %lt3A_6 = arith.cmpi slt, %select_n3A, %lt3A_5 : i32
    %ne3A_7 = arith.xori %lt3A_4, %lt3A_6 : i1
    %and3A = arith.andi %ne3A_7, %ne3A_3 : i1
    %add3A_8 = arith.addi %rem3A, %select_n3A : i32
    %select_n3A_9 = arith.select %and3A, %add3A_8, %rem3A : i32
    %iota3A = tpu.iota {dimensions = array<i32: 0>} : vector<16xi32>
    %eq3A_10 = vector.broadcast %select_n3A_9 : i32 to vector<16xi32>
    %eq3A_11 = arith.cmpi eq, %iota3A, %eq3A_10 : vector<16xi32>
    %add3A_12 = arith.constant 0 : i32
    %add3A_13 = arith.addi %add3A, %add3A_12 : i32
    %run_scoped3A = arith.constant 0 : i32
    "tpu.region"() ({
      %run_scoped3A_62 = tpu.sem_alloc : memref<!tpu.dma_semaphore, #tpu.memory_space<semaphore_mem>>
      %dma_start3A = arith.constant 0 : i32
      %dma_start3A_63 = arith.constant 0 : i32
      %dma_start3A_64 = tpu.memref_slice %arg6[%run_scoped3A, %dma_start3A, %dma_start3A_63] : memref<2x8x128xi32, #tpu.memory_space<vmem>> -> memref<1x8x128xi32, #tpu.memory_space<vmem>>
      %dma_start3A_65 = tpu.memref_squeeze %dma_start3A_64 : memref<1x8x128xi32, #tpu.memory_space<vmem>> -> memref<8x128xi32, #tpu.memory_space<vmem>>
      %dma_start3A_66 = arith.constant 0 : i32
      %dma_start3A_67 = arith.constant 0 : i32
      %dma_start3A_68 = tpu.memref_slice %arg2[%add3A_13, %dma_start3A_66, %dma_start3A_67] : memref<1024x8x128xi32, #tpu.memory_space<hbm>> -> memref<1x8x128xi32, #tpu.memory_space<hbm>>
      %dma_start3A_69 = tpu.memref_squeeze %dma_start3A_68 : memref<1x8x128xi32, #tpu.memory_space<hbm>> -> memref<8x128xi32, #tpu.memory_space<hbm>>
      %dma_start3A_70 = arith.constant 0 : i32
      %dma_start3A_71 = arith.constant 0 : i32
      %dma_start3A_72 = tpu.memref_slice %arg6[%run_scoped3A, %dma_start3A_70, %dma_start3A_71] : memref<2x8x128xi32, #tpu.memory_space<vmem>> -> memref<1x8x128xi32, #tpu.memory_space<vmem>>
      %dma_start3A_73 = tpu.memref_squeeze %dma_start3A_72 : memref<1x8x128xi32, #tpu.memory_space<vmem>> -> memref<8x128xi32, #tpu.memory_space<vmem>>
      %dma_start3A_74 = arith.constant 0 : i32
      %dma_start3A_75 = arith.constant 0 : i32
      %dma_start3A_76 = tpu.memref_slice %arg2[%add3A_13, %dma_start3A_74, %dma_start3A_75] : memref<1024x8x128xi32, #tpu.memory_space<hbm>> -> memref<1x8x128xi32, #tpu.memory_space<hbm>>
      %dma_start3A_77 = tpu.memref_squeeze %dma_start3A_76 : memref<1x8x128xi32, #tpu.memory_space<hbm>> -> memref<8x128xi32, #tpu.memory_space<hbm>>
      tpu.enqueue_dma source(%dma_start3A_77 : memref<8x128xi32, #tpu.memory_space<hbm>>) target(%dma_start3A_73 : memref<8x128xi32, #tpu.memory_space<vmem>>) target_semaphore(%run_scoped3A_62 : memref<!tpu.dma_semaphore, #tpu.memory_space<semaphore_mem>>)
      %dma_wait3A = arith.constant 0 : i32
      %dma_wait3A_78 = arith.constant 0 : i32
      %dma_wait3A_79 = tpu.memref_slice %arg6[%run_scoped3A, %dma_wait3A, %dma_wait3A_78] : memref<2x8x128xi32, #tpu.memory_space<vmem>> -> memref<1x8x128xi32, #tpu.memory_space<vmem>>
      %dma_wait3A_80 = tpu.memref_squeeze %dma_wait3A_79 : memref<1x8x128xi32, #tpu.memory_space<vmem>> -> memref<8x128xi32, #tpu.memory_space<vmem>>
      %dma_wait3A_81 = arith.constant 0 : i32
      %dma_wait3A_82 = arith.constant 0 : i32
      %dma_wait3A_83 = tpu.memref_slice %arg2[%add3A_13, %dma_wait3A_81, %dma_wait3A_82] : memref<1024x8x128xi32, #tpu.memory_space<hbm>> -> memref<1x8x128xi32, #tpu.memory_space<hbm>>
      %dma_wait3A_84 = tpu.memref_squeeze %dma_wait3A_83 : memref<1x8x128xi32, #tpu.memory_space<hbm>> -> memref<8x128xi32, #tpu.memory_space<hbm>>
      %dma_wait3A_85 = arith.constant 0 : i32
      %dma_wait3A_86 = arith.constant 0 : i32
      %dma_wait3A_87 = tpu.memref_slice %arg6[%run_scoped3A, %dma_wait3A_85, %dma_wait3A_86] : memref<2x8x128xi32, #tpu.memory_space<vmem>> -> memref<1x8x128xi32, #tpu.memory_space<vmem>>
      %dma_wait3A_88 = tpu.memref_squeeze %dma_wait3A_87 : memref<1x8x128xi32, #tpu.memory_space<vmem>> -> memref<8x128xi32, #tpu.memory_space<vmem>>
      %dma_wait3A_89 = arith.constant 0 : i32
      %dma_wait3A_90 = arith.constant 0 : i32
      %dma_wait3A_91 = tpu.memref_slice %arg2[%add3A_13, %dma_wait3A_89, %dma_wait3A_90] : memref<1024x8x128xi32, #tpu.memory_space<hbm>> -> memref<1x8x128xi32, #tpu.memory_space<hbm>>
      %dma_wait3A_92 = tpu.memref_squeeze %dma_wait3A_91 : memref<1x8x128xi32, #tpu.memory_space<hbm>> -> memref<8x128xi32, #tpu.memory_space<hbm>>
      tpu.wait_dma2 semaphore(%run_scoped3A_62 : memref<!tpu.dma_semaphore, #tpu.memory_space<semaphore_mem>>) src(%dma_wait3A_92 : memref<8x128xi32, #tpu.memory_space<hbm>>) dst(%dma_wait3A_88 : memref<8x128xi32, #tpu.memory_space<vmem>>)
      tpu.yield
    }) : () -> ()
    %sub3A = arith.subi %add3A, %select_n3A_9 : i32
    %add3A_14 = arith.constant 0 : i32
    %add3A_15 = arith.addi %sub3A, %add3A_14 : i32
    %get3A = arith.index_cast %add3A_15 : i32 to index
    %get3A_16 = tpu.vector_load %arg9[%get3A] {strides = array<i32>} : memref<1024xi32, #tpu.memory_space<vmem>>, vector<16xi32>,
    %jit3A_17 = arith.constant 0 : i32
    %broadcast_in_dim3A = vector.broadcast %jit3A_17 : i32 to vector<16xi32>
    %select_n3A_18 = arith.select %eq3A_11, %get3A_16, %broadcast_in_dim3A : vector<16xi1>, vector<16xi32>
    %reduce_sum3A = arith.constant true
    %reduce_sum3A_19 = vector.broadcast %reduce_sum3A : i1 to vector<16xi1>
    %reduce_sum3A_20 = tpu.scan <sum>, %select_n3A_18 masked %reduce_sum3A_19 : vector<16xi32>, vector<16xi1> -> vector<16xi32>
    %reduce_sum3A_21 = vector.extract %reduce_sum3A_20[15] : i32 from vector<16xi32>
    %mul3A_22 = arith.constant 20 : i32
    %mul3A_23 = arith.muli %reduce_sum3A_21, %mul3A_22 : i32
    %add3A_24 = arith.constant 127 : i32
    %add3A_25 = arith.addi %mul3A_23, %add3A_24 : i32
    %jit3A_26 = arith.constant 128 : i32
    %div3A = arith.divsi %add3A_25, %jit3A_26 : i32
    %sign3A = arith.constant 0 : i32
    %sign3A_27 = arith.cmpi sgt, %add3A_25, %sign3A : i32
    %sign3A_28 = arith.extui %sign3A_27 : i1 to i32
    %sign3A_29 = arith.constant 0 : i32
    %sign3A_30 = arith.cmpi slt, %add3A_25, %sign3A_29 : i32
    %sign3A_31 = arith.extui %sign3A_30 : i1 to i32
    %sign3A_32 = arith.subi %sign3A_28, %sign3A_31 : i32
    %sign3A_33 = arith.constant 0 : i32
    %sign3A_34 = arith.cmpi sgt, %jit3A_26, %sign3A_33 : i32
    %sign3A_35 = arith.extui %sign3A_34 : i1 to i32
    %sign3A_36 = arith.constant 0 : i32
    %sign3A_37 = arith.cmpi slt, %jit3A_26, %sign3A_36 : i32
    %sign3A_38 = arith.extui %sign3A_37 : i1 to i32
    %sign3A_39 = arith.subi %sign3A_35, %sign3A_38 : i32
    %ne3A_40 = arith.cmpi ne, %sign3A_32, %sign3A_39 : i32
    %rem3A_41 = arith.remsi %add3A_25, %jit3A_26 : i32
    %ne3A_42 = arith.constant 0 : i32
    %ne3A_43 = arith.cmpi ne, %rem3A_41, %ne3A_42 : i32
    %and3A_44 = arith.andi %ne3A_40, %ne3A_43 : i1
    %sub3A_45 = arith.constant 1 : i32
    %sub3A_46 = arith.subi %div3A, %sub3A_45 : i32
    %select_n3A_47 = arith.select %and3A_44, %sub3A_46, %div3A : i32
    %while3A = arith.constant 0 : i32
    %while3A_48 = arith.constant 0 : i32
    %while3A_49 = arith.subi %select_n3A_47, %while3A_48 : i32
    %while3A_50 = arith.addi %while3A_48, %while3A_49 : i32
    %while3A_51 = arith.constant 1 : i32
    %while3A_52 = arith.divsi %while3A_49, %while3A_51 : i32
    %while3A_53 = arith.muli %while3A_52, %while3A_51 : i32
    %while3A_54 = arith.addi %while3A_48, %while3A_53 : i32
    %while3A_55 = arith.constant 1 : i32
    scf.for %while3A_62 = %while3A_48 to %while3A_54 step %while3A_55  : i32 {
      %mul3A_63 = arith.constant 128 : i32
      %mul3A_64 = arith.muli %while3A_62, %mul3A_63 : i32
      %dma_start3A = arith.constant 0 : i32
      %dma_start3A_65 = arith.constant 0 : i32
      %dma_start3A_66 = arith.constant 0 : i32
      %dma_start3A_67 = tpu.memref_slice %arg7[%dma_start3A_65, %mul3A_64, %dma_start3A_66] : memref<2x1024x32xf32, #tpu.memory_space<vmem>> -> memref<1x128x32xf32, #tpu.memory_space<vmem>>
      %dma_start3A_68 = tpu.memref_squeeze %dma_start3A_67 : memref<1x128x32xf32, #tpu.memory_space<vmem>> -> memref<128x32xf32, #tpu.memory_space<vmem>>
      %dma_start3A_69 = arith.constant 0 : i32
      %dma_start3A_70 = tpu.memref_slice %arg6[%dma_start3A, %while3A_62, %dma_start3A_69] : memref<2x8x128xi32, #tpu.memory_space<vmem>> -> memref<1x1x128xi32, #tpu.memory_space<vmem>>
      %dma_start3A_71 = tpu.memref_squeeze %dma_start3A_70 : memref<1x1x128xi32, #tpu.memory_space<vmem>> -> memref<128xi32, #tpu.memory_space<vmem>>
      %dma_start3A_72 = arith.constant 0 : i32
      %dma_start3A_73 = arith.constant 0 : i32
      %dma_start3A_74 = tpu.memref_slice %arg4[%dma_start3A_72, %dma_start3A_73] : memref<1015808x32xf32, #tpu.memory_space<hbm>> -> memref<1015808x32xf32, #tpu.memory_space<hbm>>
      tpu.enqueue_indirect_dma source(%dma_start3A_74 : memref<1015808x32xf32, #tpu.memory_space<hbm>>) target(%dma_start3A_68 : memref<128x32xf32, #tpu.memory_space<vmem>>) offsets(%dma_start3A_71 : memref<128xi32, #tpu.memory_space<vmem>>) semaphore(%arg10 : memref<!tpu.dma_semaphore, #tpu.memory_space<semaphore_mem>>)
    }
    %while3A_56 = arith.constant 1 : i32
    scf.for %while3A_62 = %while3A_54 to %while3A_50 step %while3A_56  : i32 {
      %mul3A_63 = arith.constant 128 : i32
      %mul3A_64 = arith.muli %while3A_62, %mul3A_63 : i32
      %dma_start3A = arith.constant 0 : i32
      %dma_start3A_65 = arith.constant 0 : i32
      %dma_start3A_66 = arith.constant 0 : i32
      %dma_start3A_67 = tpu.memref_slice %arg7[%dma_start3A_65, %mul3A_64, %dma_start3A_66] : memref<2x1024x32xf32, #tpu.memory_space<vmem>> -> memref<1x128x32xf32, #tpu.memory_space<vmem>>
      %dma_start3A_68 = tpu.memref_squeeze %dma_start3A_67 : memref<1x128x32xf32, #tpu.memory_space<vmem>> -> memref<128x32xf32, #tpu.memory_space<vmem>>
      %dma_start3A_69 = arith.constant 0 : i32
      %dma_start3A_70 = tpu.memref_slice %arg6[%dma_start3A, %while3A_62, %dma_start3A_69] : memref<2x8x128xi32, #tpu.memory_space<vmem>> -> memref<1x1x128xi32, #tpu.memory_space<vmem>>
      %dma_start3A_71 = tpu.memref_squeeze %dma_start3A_70 : memref<1x1x128xi32, #tpu.memory_space<vmem>> -> memref<128xi32, #tpu.memory_space<vmem>>
      %dma_start3A_72 = arith.constant 0 : i32
      %dma_start3A_73 = arith.constant 0 : i32
      %dma_start3A_74 = tpu.memref_slice %arg4[%dma_start3A_72, %dma_start3A_73] : memref<1015808x32xf32, #tpu.memory_space<hbm>> -> memref<1015808x32xf32, #tpu.memory_space<hbm>>
      tpu.enqueue_indirect_dma source(%dma_start3A_74 : memref<1015808x32xf32, #tpu.memory_space<hbm>>) target(%dma_start3A_68 : memref<128x32xf32, #tpu.memory_space<vmem>>) offsets(%dma_start3A_71 : memref<128xi32, #tpu.memory_space<vmem>>) semaphore(%arg10 : memref<!tpu.dma_semaphore, #tpu.memory_space<semaphore_mem>>)
    }
    %scan3A = arith.constant 0 : i32
    %scan3A_57 = arith.constant 0 : i32
    %scan3A_58 = arith.constant 32 : i32
    %scan3A_59 = arith.addi %scan3A_57, %scan3A_58 : i32
    %scan3A_60 = arith.constant 1 : i32
    scf.for %scan3A_62 = %scan3A_57 to %scan3A_59 step %scan3A_60  : i32 {
      %rem3A_63 = arith.constant 2 : i32
      %rem3A_64 = arith.remsi %scan3A_62, %rem3A_63 : i32
      %sub3A_65 = arith.subi %add3A, %select_n3A_9 : i32
      %mul3A_66 = arith.constant 32 : i32
      %mul3A_67 = arith.muli %mul3A_66, %scan3A_62 : i32
      %add3A_68 = arith.addi %sub3A_65, %mul3A_67 : i32
      %get3A_69 = arith.index_cast %add3A_68 : i32 to index
      %get3A_70 = tpu.vector_load %arg9[%get3A_69] {strides = array<i32>} : memref<1024xi32, #tpu.memory_space<vmem>>, vector<16xi32>,
      %jit3A_71 = arith.constant 0 : i32
      %broadcast_in_dim3A_72 = vector.broadcast %jit3A_71 : i32 to vector<16xi32>
      %select_n3A_73 = arith.select %eq3A_11, %get3A_70, %broadcast_in_dim3A_72 : vector<16xi1>, vector<16xi32>
      %reduce_sum3A_74 = arith.constant true
      %reduce_sum3A_75 = vector.broadcast %reduce_sum3A_74 : i1 to vector<16xi1>
      %reduce_sum3A_76 = tpu.scan <sum>, %select_n3A_73 masked %reduce_sum3A_75 : vector<16xi32>, vector<16xi1> -> vector<16xi32>
      %reduce_sum3A_77 = vector.extract %reduce_sum3A_76[15] : i32 from vector<16xi32>
      %mul3A_78 = arith.constant 20 : i32
      %mul3A_79 = arith.muli %reduce_sum3A_77, %mul3A_78 : i32
      %add3A_80 = arith.constant 127 : i32
      %add3A_81 = arith.addi %mul3A_79, %add3A_80 : i32
      %jit3A_82 = arith.constant 128 : i32
      %div3A_83 = arith.divsi %add3A_81, %jit3A_82 : i32
      %sign3A_84 = arith.constant 0 : i32
      %sign3A_85 = arith.cmpi sgt, %add3A_81, %sign3A_84 : i32
      %sign3A_86 = arith.extui %sign3A_85 : i1 to i32
      %sign3A_87 = arith.constant 0 : i32
      %sign3A_88 = arith.cmpi slt, %add3A_81, %sign3A_87 : i32
      %sign3A_89 = arith.extui %sign3A_88 : i1 to i32
      %sign3A_90 = arith.subi %sign3A_86, %sign3A_89 : i32
      %sign3A_91 = arith.constant 0 : i32
      %sign3A_92 = arith.cmpi sgt, %jit3A_82, %sign3A_91 : i32
      %sign3A_93 = arith.extui %sign3A_92 : i1 to i32
      %sign3A_94 = arith.constant 0 : i32
      %sign3A_95 = arith.cmpi slt, %jit3A_82, %sign3A_94 : i32
      %sign3A_96 = arith.extui %sign3A_95 : i1 to i32
      %sign3A_97 = arith.subi %sign3A_93, %sign3A_96 : i32
      %ne3A_98 = arith.cmpi ne, %sign3A_90, %sign3A_97 : i32
      %rem3A_99 = arith.remsi %add3A_81, %jit3A_82 : i32
      %ne3A_100 = arith.constant 0 : i32
      %ne3A_101 = arith.cmpi ne, %rem3A_99, %ne3A_100 : i32
      %and3A_102 = arith.andi %ne3A_98, %ne3A_101 : i1
      %sub3A_103 = arith.constant 1 : i32
      %sub3A_104 = arith.subi %div3A_83, %sub3A_103 : i32
      %select_n3A_105 = arith.select %and3A_102, %sub3A_104, %div3A_83 : i32
      %while3A_106 = arith.constant 0 : i32
      %while3A_107 = arith.constant 0 : i32
      %while3A_108 = arith.subi %select_n3A_105, %while3A_107 : i32
      %while3A_109 = arith.addi %while3A_107, %while3A_108 : i32
      %while3A_110 = arith.constant 1 : i32
      %while3A_111 = arith.divsi %while3A_108, %while3A_110 : i32
      %while3A_112 = arith.muli %while3A_111, %while3A_110 : i32
      %while3A_113 = arith.addi %while3A_107, %while3A_112 : i32
      %while3A_114 = arith.constant 1 : i32
      scf.for %while3A_134 = %while3A_107 to %while3A_113 step %while3A_114  : i32 {
        %dma_wait3A = arith.constant 0 : i32
        %dma_wait3A_135 = arith.constant 0 : i32
        %dma_wait3A_136 = tpu.memref_slice %arg7[%rem3A_64, %dma_wait3A, %dma_wait3A_135] : memref<2x1024x32xf32, #tpu.memory_space<vmem>> -> memref<1x128x32xf32, #tpu.memory_space<vmem>>
        %dma_wait3A_137 = tpu.memref_squeeze %dma_wait3A_136 : memref<1x128x32xf32, #tpu.memory_space<vmem>> -> memref<128x32xf32, #tpu.memory_space<vmem>>
        %dma_wait3A_138 = arith.constant 0 : i32
        %dma_wait3A_139 = arith.constant 0 : i32
        %dma_wait3A_140 = tpu.memref_slice %arg4[%dma_wait3A_138, %dma_wait3A_139] : memref<1015808x32xf32, #tpu.memory_space<hbm>> -> memref<128x32xf32, #tpu.memory_space<hbm>>
        %dma_wait3A_141 = arith.constant 0 : i32
        %dma_wait3A_142 = arith.constant 0 : i32
        %dma_wait3A_143 = tpu.memref_slice %arg7[%rem3A_64, %dma_wait3A_141, %dma_wait3A_142] : memref<2x1024x32xf32, #tpu.memory_space<vmem>> -> memref<1x128x32xf32, #tpu.memory_space<vmem>>
        %dma_wait3A_144 = tpu.memref_squeeze %dma_wait3A_143 : memref<1x128x32xf32, #tpu.memory_space<vmem>> -> memref<128x32xf32, #tpu.memory_space<vmem>>
        %dma_wait3A_145 = arith.constant 0 : i32
        %dma_wait3A_146 = arith.constant 0 : i32
        %dma_wait3A_147 = tpu.memref_slice %arg4[%dma_wait3A_145, %dma_wait3A_146] : memref<1015808x32xf32, #tpu.memory_space<hbm>> -> memref<128x32xf32, #tpu.memory_space<hbm>>
        tpu.wait_dma2 semaphore(%arg10 : memref<!tpu.dma_semaphore, #tpu.memory_space<semaphore_mem>>) src(%dma_wait3A_147 : memref<128x32xf32, #tpu.memory_space<hbm>>) dst(%dma_wait3A_144 : memref<128x32xf32, #tpu.memory_space<vmem>>)
      }
      %while3A_115 = arith.constant 1 : i32
      scf.for %while3A_134 = %while3A_113 to %while3A_109 step %while3A_115  : i32 {
        %dma_wait3A = arith.constant 0 : i32
        %dma_wait3A_135 = arith.constant 0 : i32
        %dma_wait3A_136 = tpu.memref_slice %arg7[%rem3A_64, %dma_wait3A, %dma_wait3A_135] : memref<2x1024x32xf32, #tpu.memory_space<vmem>> -> memref<1x128x32xf32, #tpu.memory_space<vmem>>
        %dma_wait3A_137 = tpu.memref_squeeze %dma_wait3A_136 : memref<1x128x32xf32, #tpu.memory_space<vmem>> -> memref<128x32xf32, #tpu.memory_space<vmem>>
        %dma_wait3A_138 = arith.constant 0 : i32
        %dma_wait3A_139 = arith.constant 0 : i32
        %dma_wait3A_140 = tpu.memref_slice %arg4[%dma_wait3A_138, %dma_wait3A_139] : memref<1015808x32xf32, #tpu.memory_space<hbm>> -> memref<128x32xf32, #tpu.memory_space<hbm>>
        %dma_wait3A_141 = arith.constant 0 : i32
        %dma_wait3A_142 = arith.constant 0 : i32
        %dma_wait3A_143 = tpu.memref_slice %arg7[%rem3A_64, %dma_wait3A_141, %dma_wait3A_142] : memref<2x1024x32xf32, #tpu.memory_space<vmem>> -> memref<1x128x32xf32, #tpu.memory_space<vmem>>
        %dma_wait3A_144 = tpu.memref_squeeze %dma_wait3A_143 : memref<1x128x32xf32, #tpu.memory_space<vmem>> -> memref<128x32xf32, #tpu.memory_space<vmem>>
        %dma_wait3A_145 = arith.constant 0 : i32
        %dma_wait3A_146 = arith.constant 0 : i32
        %dma_wait3A_147 = tpu.memref_slice %arg4[%dma_wait3A_145, %dma_wait3A_146] : memref<1015808x32xf32, #tpu.memory_space<hbm>> -> memref<128x32xf32, #tpu.memory_space<hbm>>
        tpu.wait_dma2 semaphore(%arg10 : memref<!tpu.dma_semaphore, #tpu.memory_space<semaphore_mem>>) src(%dma_wait3A_147 : memref<128x32xf32, #tpu.memory_space<hbm>>) dst(%dma_wait3A_144 : memref<128x32xf32, #tpu.memory_space<vmem>>)
      }
      %add3A_116 = arith.constant 1 : i32
      %add3A_117 = arith.addi %scan3A_62, %add3A_116 : i32
      %lt3A_118 = arith.constant 32 : i32
      %lt3A_119 = arith.cmpi slt, %add3A_117, %lt3A_118 : i32
      %convert_element_type3A = arith.extui %lt3A_119 : i1 to i32
      %cond3A = arith.constant 0 : i32
      %cond3A_120 = arith.cmpi ne, %convert_element_type3A, %cond3A : i32
      scf.if %cond3A_120 {
        %add3A_134 = arith.constant 1 : i32
        %add3A_135 = arith.addi %scan3A_62, %add3A_134 : i32
        %sub3A_136 = arith.constant 1 : i32
        %sub3A_137 = arith.subi %sub3A_136, %rem3A_64 : i32
        %mul3A_138 = arith.constant 32 : i32
        %mul3A_139 = arith.muli %mul3A_138, %add3A_135 : i32
        %add3A_140 = arith.addi %add3A, %mul3A_139 : i32
        "tpu.region"() ({
          %run_scoped3A_192 = tpu.sem_alloc : memref<!tpu.dma_semaphore, #tpu.memory_space<semaphore_mem>>
          %dma_start3A = arith.constant 0 : i32
          %dma_start3A_193 = arith.constant 0 : i32
          %dma_start3A_194 = tpu.memref_slice %arg6[%sub3A_137, %dma_start3A, %dma_start3A_193] : memref<2x8x128xi32, #tpu.memory_space<vmem>> -> memref<1x8x128xi32, #tpu.memory_space<vmem>>
          %dma_start3A_195 = tpu.memref_squeeze %dma_start3A_194 : memref<1x8x128xi32, #tpu.memory_space<vmem>> -> memref<8x128xi32, #tpu.memory_space<vmem>>
          %dma_start3A_196 = arith.constant 0 : i32
          %dma_start3A_197 = arith.constant 0 : i32
          %dma_start3A_198 = tpu.memref_slice %arg2[%add3A_140, %dma_start3A_196, %dma_start3A_197] : memref<1024x8x128xi32, #tpu.memory_space<hbm>> -> memref<1x8x128xi32, #tpu.memory_space<hbm>>
          %dma_start3A_199 = tpu.memref_squeeze %dma_start3A_198 : memref<1x8x128xi32, #tpu.memory_space<hbm>> -> memref<8x128xi32, #tpu.memory_space<hbm>>
          %dma_start3A_200 = arith.constant 0 : i32
          %dma_start3A_201 = arith.constant 0 : i32
          %dma_start3A_202 = tpu.memref_slice %arg6[%sub3A_137, %dma_start3A_200, %dma_start3A_201] : memref<2x8x128xi32, #tpu.memory_space<vmem>> -> memref<1x8x128xi32, #tpu.memory_space<vmem>>
          %dma_start3A_203 = tpu.memref_squeeze %dma_start3A_202 : memref<1x8x128xi32, #tpu.memory_space<vmem>> -> memref<8x128xi32, #tpu.memory_space<vmem>>
          %dma_start3A_204 = arith.constant 0 : i32
          %dma_start3A_205 = arith.constant 0 : i32
          %dma_start3A_206 = tpu.memref_slice %arg2[%add3A_140, %dma_start3A_204, %dma_start3A_205] : memref<1024x8x128xi32, #tpu.memory_space<hbm>> -> memref<1x8x128xi32, #tpu.memory_space<hbm>>
          %dma_start3A_207 = tpu.memref_squeeze %dma_start3A_206 : memref<1x8x128xi32, #tpu.memory_space<hbm>> -> memref<8x128xi32, #tpu.memory_space<hbm>>
          tpu.enqueue_dma source(%dma_start3A_207 : memref<8x128xi32, #tpu.memory_space<hbm>>) target(%dma_start3A_203 : memref<8x128xi32, #tpu.memory_space<vmem>>) target_semaphore(%run_scoped3A_192 : memref<!tpu.dma_semaphore, #tpu.memory_space<semaphore_mem>>)
          %dma_wait3A = arith.constant 0 : i32
          %dma_wait3A_208 = arith.constant 0 : i32
          %dma_wait3A_209 = tpu.memref_slice %arg6[%sub3A_137, %dma_wait3A, %dma_wait3A_208] : memref<2x8x128xi32, #tpu.memory_space<vmem>> -> memref<1x8x128xi32, #tpu.memory_space<vmem>>
          %dma_wait3A_210 = tpu.memref_squeeze %dma_wait3A_209 : memref<1x8x128xi32, #tpu.memory_space<vmem>> -> memref<8x128xi32, #tpu.memory_space<vmem>>
          %dma_wait3A_211 = arith.constant 0 : i32
          %dma_wait3A_212 = arith.constant 0 : i32
          %dma_wait3A_213 = tpu.memref_slice %arg2[%add3A_140, %dma_wait3A_211, %dma_wait3A_212] : memref<1024x8x128xi32, #tpu.memory_space<hbm>> -> memref<1x8x128xi32, #tpu.memory_space<hbm>>
          %dma_wait3A_214 = tpu.memref_squeeze %dma_wait3A_213 : memref<1x8x128xi32, #tpu.memory_space<hbm>> -> memref<8x128xi32, #tpu.memory_space<hbm>>
          %dma_wait3A_215 = arith.constant 0 : i32
          %dma_wait3A_216 = arith.constant 0 : i32
          %dma_wait3A_217 = tpu.memref_slice %arg6[%sub3A_137, %dma_wait3A_215, %dma_wait3A_216] : memref<2x8x128xi32, #tpu.memory_space<vmem>> -> memref<1x8x128xi32, #tpu.memory_space<vmem>>
          %dma_wait3A_218 = tpu.memref_squeeze %dma_wait3A_217 : memref<1x8x128xi32, #tpu.memory_space<vmem>> -> memref<8x128xi32, #tpu.memory_space<vmem>>
          %dma_wait3A_219 = arith.constant 0 : i32
          %dma_wait3A_220 = arith.constant 0 : i32
          %dma_wait3A_221 = tpu.memref_slice %arg2[%add3A_140, %dma_wait3A_219, %dma_wait3A_220] : memref<1024x8x128xi32, #tpu.memory_space<hbm>> -> memref<1x8x128xi32, #tpu.memory_space<hbm>>
          %dma_wait3A_222 = tpu.memref_squeeze %dma_wait3A_221 : memref<1x8x128xi32, #tpu.memory_space<hbm>> -> memref<8x128xi32, #tpu.memory_space<hbm>>
          tpu.wait_dma2 semaphore(%run_scoped3A_192 : memref<!tpu.dma_semaphore, #tpu.memory_space<semaphore_mem>>) src(%dma_wait3A_222 : memref<8x128xi32, #tpu.memory_space<hbm>>) dst(%dma_wait3A_218 : memref<8x128xi32, #tpu.memory_space<vmem>>)
          tpu.yield
        }) : () -> ()
        %sub3A_141 = arith.subi %add3A, %select_n3A_9 : i32
        %mul3A_142 = arith.constant 32 : i32
        %mul3A_143 = arith.muli %mul3A_142, %add3A_135 : i32
        %add3A_144 = arith.addi %sub3A_141, %mul3A_143 : i32
        %get3A_145 = arith.index_cast %add3A_144 : i32 to index
        %get3A_146 = tpu.vector_load %arg9[%get3A_145] {strides = array<i32>} : memref<1024xi32, #tpu.memory_space<vmem>>, vector<16xi32>,
        %jit3A_147 = arith.constant 0 : i32
        %broadcast_in_dim3A_148 = vector.broadcast %jit3A_147 : i32 to vector<16xi32>
        %select_n3A_149 = arith.select %eq3A_11, %get3A_146, %broadcast_in_dim3A_148 : vector<16xi1>, vector<16xi32>
        %reduce_sum3A_150 = arith.constant true
        %reduce_sum3A_151 = vector.broadcast %reduce_sum3A_150 : i1 to vector<16xi1>
        %reduce_sum3A_152 = tpu.scan <sum>, %select_n3A_149 masked %reduce_sum3A_151 : vector<16xi32>, vector<16xi1> -> vector<16xi32>
        %reduce_sum3A_153 = vector.extract %reduce_sum3A_152[15] : i32 from vector<16xi32>
        %mul3A_154 = arith.constant 20 : i32
        %mul3A_155 = arith.muli %reduce_sum3A_153, %mul3A_154 : i32
        %add3A_156 = arith.constant 127 : i32
        %add3A_157 = arith.addi %mul3A_155, %add3A_156 : i32
        %jit3A_158 = arith.constant 128 : i32
        %div3A_159 = arith.divsi %add3A_157, %jit3A_158 : i32
        %sign3A_160 = arith.constant 0 : i32
        %sign3A_161 = arith.cmpi sgt, %add3A_157, %sign3A_160 : i32
        %sign3A_162 = arith.extui %sign3A_161 : i1 to i32
        %sign3A_163 = arith.constant 0 : i32
        %sign3A_164 = arith.cmpi slt, %add3A_157, %sign3A_163 : i32
        %sign3A_165 = arith.extui %sign3A_164 : i1 to i32
        %sign3A_166 = arith.subi %sign3A_162, %sign3A_165 : i32
        %sign3A_167 = arith.constant 0 : i32
        %sign3A_168 = arith.cmpi sgt, %jit3A_158, %sign3A_167 : i32
        %sign3A_169 = arith.extui %sign3A_168 : i1 to i32
        %sign3A_170 = arith.constant 0 : i32
        %sign3A_171 = arith.cmpi slt, %jit3A_158, %sign3A_170 : i32
        %sign3A_172 = arith.extui %sign3A_171 : i1 to i32
        %sign3A_173 = arith.subi %sign3A_169, %sign3A_172 : i32
        %ne3A_174 = arith.cmpi ne, %sign3A_166, %sign3A_173 : i32
        %rem3A_175 = arith.remsi %add3A_157, %jit3A_158 : i32
        %ne3A_176 = arith.constant 0 : i32
        %ne3A_177 = arith.cmpi ne, %rem3A_175, %ne3A_176 : i32
        %and3A_178 = arith.andi %ne3A_174, %ne3A_177 : i1
        %sub3A_179 = arith.constant 1 : i32
        %sub3A_180 = arith.subi %div3A_159, %sub3A_179 : i32
        %select_n3A_181 = arith.select %and3A_178, %sub3A_180, %div3A_159 : i32
        %while3A_182 = arith.constant 0 : i32
        %while3A_183 = arith.constant 0 : i32
        %while3A_184 = arith.subi %select_n3A_181, %while3A_183 : i32
        %while3A_185 = arith.addi %while3A_183, %while3A_184 : i32
        %while3A_186 = arith.constant 1 : i32
        %while3A_187 = arith.divsi %while3A_184, %while3A_186 : i32
        %while3A_188 = arith.muli %while3A_187, %while3A_186 : i32
        %while3A_189 = arith.addi %while3A_183, %while3A_188 : i32
        %while3A_190 = arith.constant 1 : i32
        scf.for %while3A_192 = %while3A_183 to %while3A_189 step %while3A_190  : i32 {
          %mul3A_193 = arith.constant 128 : i32
          %mul3A_194 = arith.muli %while3A_192, %mul3A_193 : i32
          %dma_start3A = arith.constant 0 : i32
          %dma_start3A_195 = tpu.memref_slice %arg7[%sub3A_137, %mul3A_194, %dma_start3A] : memref<2x1024x32xf32, #tpu.memory_space<vmem>> -> memref<1x128x32xf32, #tpu.memory_space<vmem>>
          %dma_start3A_196 = tpu.memref_squeeze %dma_start3A_195 : memref<1x128x32xf32, #tpu.memory_space<vmem>> -> memref<128x32xf32, #tpu.memory_space<vmem>>
          %dma_start3A_197 = arith.constant 0 : i32
          %dma_start3A_198 = tpu.memref_slice %arg6[%sub3A_137, %while3A_192, %dma_start3A_197] : memref<2x8x128xi32, #tpu.memory_space<vmem>> -> memref<1x1x128xi32, #tpu.memory_space<vmem>>
          %dma_start3A_199 = tpu.memref_squeeze %dma_start3A_198 : memref<1x1x128xi32, #tpu.memory_space<vmem>> -> memref<128xi32, #tpu.memory_space<vmem>>
          %dma_start3A_200 = arith.constant 0 : i32
          %dma_start3A_201 = arith.constant 0 : i32
          %dma_start3A_202 = tpu.memref_slice %arg4[%dma_start3A_200, %dma_start3A_201] : memref<1015808x32xf32, #tpu.memory_space<hbm>> -> memref<1015808x32xf32, #tpu.memory_space<hbm>>
          tpu.enqueue_indirect_dma source(%dma_start3A_202 : memref<1015808x32xf32, #tpu.memory_space<hbm>>) target(%dma_start3A_196 : memref<128x32xf32, #tpu.memory_space<vmem>>) offsets(%dma_start3A_199 : memref<128xi32, #tpu.memory_space<vmem>>) semaphore(%arg10 : memref<!tpu.dma_semaphore, #tpu.memory_space<semaphore_mem>>)
        }
        %while3A_191 = arith.constant 1 : i32
        scf.for %while3A_192 = %while3A_189 to %while3A_185 step %while3A_191  : i32 {
          %mul3A_193 = arith.constant 128 : i32
          %mul3A_194 = arith.muli %while3A_192, %mul3A_193 : i32
          %dma_start3A = arith.constant 0 : i32
          %dma_start3A_195 = tpu.memref_slice %arg7[%sub3A_137, %mul3A_194, %dma_start3A] : memref<2x1024x32xf32, #tpu.memory_space<vmem>> -> memref<1x128x32xf32, #tpu.memory_space<vmem>>
          %dma_start3A_196 = tpu.memref_squeeze %dma_start3A_195 : memref<1x128x32xf32, #tpu.memory_space<vmem>> -> memref<128x32xf32, #tpu.memory_space<vmem>>
          %dma_start3A_197 = arith.constant 0 : i32
          %dma_start3A_198 = tpu.memref_slice %arg6[%sub3A_137, %while3A_192, %dma_start3A_197] : memref<2x8x128xi32, #tpu.memory_space<vmem>> -> memref<1x1x128xi32, #tpu.memory_space<vmem>>
          %dma_start3A_199 = tpu.memref_squeeze %dma_start3A_198 : memref<1x1x128xi32, #tpu.memory_space<vmem>> -> memref<128xi32, #tpu.memory_space<vmem>>
          %dma_start3A_200 = arith.constant 0 : i32
          %dma_start3A_201 = arith.constant 0 : i32
          %dma_start3A_202 = tpu.memref_slice %arg4[%dma_start3A_200, %dma_start3A_201] : memref<1015808x32xf32, #tpu.memory_space<hbm>> -> memref<1015808x32xf32, #tpu.memory_space<hbm>>
          tpu.enqueue_indirect_dma source(%dma_start3A_202 : memref<1015808x32xf32, #tpu.memory_space<hbm>>) target(%dma_start3A_196 : memref<128x32xf32, #tpu.memory_space<vmem>>) offsets(%dma_start3A_199 : memref<128xi32, #tpu.memory_space<vmem>>) semaphore(%arg10 : memref<!tpu.dma_semaphore, #tpu.memory_space<semaphore_mem>>)
        }
      } else {
      }
      %while3A_121 = arith.constant 0 : i32
      %while3A_122 = arith.constant 0 : i32
      %while3A_123 = arith.subi %reduce_sum3A_77, %while3A_122 : i32
      %while3A_124 = arith.addi %while3A_122, %while3A_123 : i32
      %while3A_125 = arith.constant 1 : i32
      %while3A_126 = arith.divsi %while3A_123, %while3A_125 : i32
      %while3A_127 = arith.muli %while3A_126, %while3A_125 : i32
      %while3A_128 = arith.addi %while3A_122, %while3A_127 : i32
      %while3A_129 = arith.constant 1 : i32
      scf.for %while3A_134 = %while3A_122 to %while3A_128 step %while3A_129  : i32 {
        %mul3A_135 = arith.constant 20 : i32
        %mul3A_136 = arith.muli %while3A_134, %mul3A_135 : i32
        %get3A_137 = arith.index_cast %rem3A_64 : i32 to index
        %get3A_138 = arith.index_cast %mul3A_136 : i32 to index
        %get3A_139 = arith.constant 0 : index
        %get3A_140 = tpu.vector_load %arg7[%get3A_137, %get3A_138, %get3A_139] {strides = array<i32>} : memref<2x1024x32xf32, #tpu.memory_space<vmem>>, vector<16xf32>,
        %add3A_141 = arith.constant 1 : i32
        %add3A_142 = arith.addi %mul3A_136, %add3A_141 : i32
        %get3A_143 = arith.index_cast %rem3A_64 : i32 to index
        %get3A_144 = arith.index_cast %add3A_142 : i32 to index
        %get3A_145 = arith.constant 0 : index
        %get3A_146 = tpu.vector_load %arg7[%get3A_143, %get3A_144, %get3A_145] {strides = array<i32>} : memref<2x1024x32xf32, #tpu.memory_space<vmem>>, vector<16xf32>,
        %max3A = arith.maximumf %get3A_140, %get3A_146 : vector<16xf32>
        %add3A_147 = arith.constant 2 : i32
        %add3A_148 = arith.addi %mul3A_136, %add3A_147 : i32
        %get3A_149 = arith.index_cast %rem3A_64 : i32 to index
        %get3A_150 = arith.index_cast %add3A_148 : i32 to index
        %get3A_151 = arith.constant 0 : index
        %get3A_152 = tpu.vector_load %arg7[%get3A_149, %get3A_150, %get3A_151] {strides = array<i32>} : memref<2x1024x32xf32, #tpu.memory_space<vmem>>, vector<16xf32>,
        %max3A_153 = arith.maximumf %max3A, %get3A_152 : vector<16xf32>
        %add3A_154 = arith.constant 3 : i32
        %add3A_155 = arith.addi %mul3A_136, %add3A_154 : i32
        %get3A_156 = arith.index_cast %rem3A_64 : i32 to index
        %get3A_157 = arith.index_cast %add3A_155 : i32 to index
        %get3A_158 = arith.constant 0 : index
        %get3A_159 = tpu.vector_load %arg7[%get3A_156, %get3A_157, %get3A_158] {strides = array<i32>} : memref<2x1024x32xf32, #tpu.memory_space<vmem>>, vector<16xf32>,
        %max3A_160 = arith.maximumf %max3A_153, %get3A_159 : vector<16xf32>
        %add3A_161 = arith.constant 4 : i32
        %add3A_162 = arith.addi %mul3A_136, %add3A_161 : i32
        %get3A_163 = arith.index_cast %rem3A_64 : i32 to index
        %get3A_164 = arith.index_cast %add3A_162 : i32 to index
        %get3A_165 = arith.constant 0 : index
        %get3A_166 = tpu.vector_load %arg7[%get3A_163, %get3A_164, %get3A_165] {strides = array<i32>} : memref<2x1024x32xf32, #tpu.memory_space<vmem>>, vector<16xf32>,
        %max3A_167 = arith.maximumf %max3A_160, %get3A_166 : vector<16xf32>
        %add3A_168 = arith.constant 5 : i32
        %add3A_169 = arith.addi %mul3A_136, %add3A_168 : i32
        %get3A_170 = arith.index_cast %rem3A_64 : i32 to index
        %get3A_171 = arith.index_cast %add3A_169 : i32 to index
        %get3A_172 = arith.constant 0 : index
        %get3A_173 = tpu.vector_load %arg7[%get3A_170, %get3A_171, %get3A_172] {strides = array<i32>} : memref<2x1024x32xf32, #tpu.memory_space<vmem>>, vector<16xf32>,
        %max3A_174 = arith.maximumf %max3A_167, %get3A_173 : vector<16xf32>
        %add3A_175 = arith.constant 6 : i32
        %add3A_176 = arith.addi %mul3A_136, %add3A_175 : i32
        %get3A_177 = arith.index_cast %rem3A_64 : i32 to index
        %get3A_178 = arith.index_cast %add3A_176 : i32 to index
        %get3A_179 = arith.constant 0 : index
        %get3A_180 = tpu.vector_load %arg7[%get3A_177, %get3A_178, %get3A_179] {strides = array<i32>} : memref<2x1024x32xf32, #tpu.memory_space<vmem>>, vector<16xf32>,
        %max3A_181 = arith.maximumf %max3A_174, %get3A_180 : vector<16xf32>
        %add3A_182 = arith.constant 7 : i32
        %add3A_183 = arith.addi %mul3A_136, %add3A_182 : i32
        %get3A_184 = arith.index_cast %rem3A_64 : i32 to index
        %get3A_185 = arith.index_cast %add3A_183 : i32 to index
        %get3A_186 = arith.constant 0 : index
        %get3A_187 = tpu.vector_load %arg7[%get3A_184, %get3A_185, %get3A_186] {strides = array<i32>} : memref<2x1024x32xf32, #tpu.memory_space<vmem>>, vector<16xf32>,
        %max3A_188 = arith.maximumf %max3A_181, %get3A_187 : vector<16xf32>
        %add3A_189 = arith.constant 8 : i32
        %add3A_190 = arith.addi %mul3A_136, %add3A_189 : i32
        %get3A_191 = arith.index_cast %rem3A_64 : i32 to index
        %get3A_192 = arith.index_cast %add3A_190 : i32 to index
        %get3A_193 = arith.constant 0 : index
        %get3A_194 = tpu.vector_load %arg7[%get3A_191, %get3A_192, %get3A_193] {strides = array<i32>} : memref<2x1024x32xf32, #tpu.memory_space<vmem>>, vector<16xf32>,
        %max3A_195 = arith.maximumf %max3A_188, %get3A_194 : vector<16xf32>
        %add3A_196 = arith.constant 9 : i32
        %add3A_197 = arith.addi %mul3A_136, %add3A_196 : i32
        %get3A_198 = arith.index_cast %rem3A_64 : i32 to index
        %get3A_199 = arith.index_cast %add3A_197 : i32 to index
        %get3A_200 = arith.constant 0 : index
        %get3A_201 = tpu.vector_load %arg7[%get3A_198, %get3A_199, %get3A_200] {strides = array<i32>} : memref<2x1024x32xf32, #tpu.memory_space<vmem>>, vector<16xf32>,
        %max3A_202 = arith.maximumf %max3A_195, %get3A_201 : vector<16xf32>
        %add3A_203 = arith.constant 10 : i32
        %add3A_204 = arith.addi %mul3A_136, %add3A_203 : i32
        %get3A_205 = arith.index_cast %rem3A_64 : i32 to index
        %get3A_206 = arith.index_cast %add3A_204 : i32 to index
        %get3A_207 = arith.constant 0 : index
        %get3A_208 = tpu.vector_load %arg7[%get3A_205, %get3A_206, %get3A_207] {strides = array<i32>} : memref<2x1024x32xf32, #tpu.memory_space<vmem>>, vector<16xf32>,
        %max3A_209 = arith.maximumf %max3A_202, %get3A_208 : vector<16xf32>
        %add3A_210 = arith.constant 11 : i32
        %add3A_211 = arith.addi %mul3A_136, %add3A_210 : i32
        %get3A_212 = arith.index_cast %rem3A_64 : i32 to index
        %get3A_213 = arith.index_cast %add3A_211 : i32 to index
        %get3A_214 = arith.constant 0 : index
        %get3A_215 = tpu.vector_load %arg7[%get3A_212, %get3A_213, %get3A_214] {strides = array<i32>} : memref<2x1024x32xf32, #tpu.memory_space<vmem>>, vector<16xf32>,
        %max3A_216 = arith.maximumf %max3A_209, %get3A_215 : vector<16xf32>
        %add3A_217 = arith.constant 12 : i32
        %add3A_218 = arith.addi %mul3A_136, %add3A_217 : i32
        %get3A_219 = arith.index_cast %rem3A_64 : i32 to index
        %get3A_220 = arith.index_cast %add3A_218 : i32 to index
        %get3A_221 = arith.constant 0 : index
        %get3A_222 = tpu.vector_load %arg7[%get3A_219, %get3A_220, %get3A_221] {strides = array<i32>} : memref<2x1024x32xf32, #tpu.memory_space<vmem>>, vector<16xf32>,
        %max3A_223 = arith.maximumf %max3A_216, %get3A_222 : vector<16xf32>
        %add3A_224 = arith.constant 13 : i32
        %add3A_225 = arith.addi %mul3A_136, %add3A_224 : i32
        %get3A_226 = arith.index_cast %rem3A_64 : i32 to index
        %get3A_227 = arith.index_cast %add3A_225 : i32 to index
        %get3A_228 = arith.constant 0 : index
        %get3A_229 = tpu.vector_load %arg7[%get3A_226, %get3A_227, %get3A_228] {strides = array<i32>} : memref<2x1024x32xf32, #tpu.memory_space<vmem>>, vector<16xf32>,
        %max3A_230 = arith.maximumf %max3A_223, %get3A_229 : vector<16xf32>
        %add3A_231 = arith.constant 14 : i32
        %add3A_232 = arith.addi %mul3A_136, %add3A_231 : i32
        %get3A_233 = arith.index_cast %rem3A_64 : i32 to index
        %get3A_234 = arith.index_cast %add3A_232 : i32 to index
        %get3A_235 = arith.constant 0 : index
        %get3A_236 = tpu.vector_load %arg7[%get3A_233, %get3A_234, %get3A_235] {strides = array<i32>} : memref<2x1024x32xf32, #tpu.memory_space<vmem>>, vector<16xf32>,
        %max3A_237 = arith.maximumf %max3A_230, %get3A_236 : vector<16xf32>
        %add3A_238 = arith.constant 15 : i32
        %add3A_239 = arith.addi %mul3A_136, %add3A_238 : i32
        %get3A_240 = arith.index_cast %rem3A_64 : i32 to index
        %get3A_241 = arith.index_cast %add3A_239 : i32 to index
        %get3A_242 = arith.constant 0 : index
        %get3A_243 = tpu.vector_load %arg7[%get3A_240, %get3A_241, %get3A_242] {strides = array<i32>} : memref<2x1024x32xf32, #tpu.memory_space<vmem>>, vector<16xf32>,
        %max3A_244 = arith.maximumf %max3A_237, %get3A_243 : vector<16xf32>
        %add3A_245 = arith.constant 16 : i32
        %add3A_246 = arith.addi %mul3A_136, %add3A_245 : i32
        %get3A_247 = arith.index_cast %rem3A_64 : i32 to index
        %get3A_248 = arith.index_cast %add3A_246 : i32 to index
        %get3A_249 = arith.constant 0 : index
        %get3A_250 = tpu.vector_load %arg7[%get3A_247, %get3A_248, %get3A_249] {strides = array<i32>} : memref<2x1024x32xf32, #tpu.memory_space<vmem>>, vector<16xf32>,
        %max3A_251 = arith.maximumf %max3A_244, %get3A_250 : vector<16xf32>
        %add3A_252 = arith.constant 17 : i32
        %add3A_253 = arith.addi %mul3A_136, %add3A_252 : i32
        %get3A_254 = arith.index_cast %rem3A_64 : i32 to index
        %get3A_255 = arith.index_cast %add3A_253 : i32 to index
        %get3A_256 = arith.constant 0 : index
        %get3A_257 = tpu.vector_load %arg7[%get3A_254, %get3A_255, %get3A_256] {strides = array<i32>} : memref<2x1024x32xf32, #tpu.memory_space<vmem>>, vector<16xf32>,
        %max3A_258 = arith.maximumf %max3A_251, %get3A_257 : vector<16xf32>
        %add3A_259 = arith.constant 18 : i32
        %add3A_260 = arith.addi %mul3A_136, %add3A_259 : i32
        %get3A_261 = arith.index_cast %rem3A_64 : i32 to index
        %get3A_262 = arith.index_cast %add3A_260 : i32 to index
        %get3A_263 = arith.constant 0 : index
        %get3A_264 = tpu.vector_load %arg7[%get3A_261, %get3A_262, %get3A_263] {strides = array<i32>} : memref<2x1024x32xf32, #tpu.memory_space<vmem>>, vector<16xf32>,
        %max3A_265 = arith.maximumf %max3A_258, %get3A_264 : vector<16xf32>
        %add3A_266 = arith.constant 19 : i32
        %add3A_267 = arith.addi %mul3A_136, %add3A_266 : i32
        %get3A_268 = arith.index_cast %rem3A_64 : i32 to index
        %get3A_269 = arith.index_cast %add3A_267 : i32 to index
        %get3A_270 = arith.constant 0 : index
        %get3A_271 = tpu.vector_load %arg7[%get3A_268, %get3A_269, %get3A_270] {strides = array<i32>} : memref<2x1024x32xf32, #tpu.memory_space<vmem>>, vector<16xf32>,
        %max3A_272 = arith.maximumf %max3A_265, %get3A_271 : vector<16xf32>
        %mul3A_273 = arith.constant 32 : i32
        %mul3A_274 = arith.muli %while3A_134, %mul3A_273 : i32
        %add3A_275 = arith.constant 0 : i32
        %add3A_276 = arith.addi %mul3A_274, %add3A_275 : i32
        %swap3A = arith.index_cast %add3A_276 : i32 to index
        %swap3A_277 = tpu.vector_load %arg8[%swap3A] {strides = array<i32>} : memref<1664xf32, #tpu.memory_space<vmem>>, vector<16xf32>,
        tpu.vector_store %arg8[%swap3A], %max3A_272 {strides = array<i32>} : memref<1664xf32, #tpu.memory_space<vmem>>, vector<16xf32>,
        %get3A_278 = arith.index_cast %rem3A_64 : i32 to index
        %get3A_279 = arith.index_cast %mul3A_136 : i32 to index
        %get3A_280 = arith.constant 16 : index
        %get3A_281 = tpu.vector_load %arg7[%get3A_278, %get3A_279, %get3A_280] {strides = array<i32>} : memref<2x1024x32xf32, #tpu.memory_space<vmem>>, vector<16xf32>,
        %add3A_282 = arith.constant 1 : i32
        %add3A_283 = arith.addi %mul3A_136, %add3A_282 : i32
        %get3A_284 = arith.index_cast %rem3A_64 : i32 to index
        %get3A_285 = arith.index_cast %add3A_283 : i32 to index
        %get3A_286 = arith.constant 16 : index
        %get3A_287 = tpu.vector_load %arg7[%get3A_284, %get3A_285, %get3A_286] {strides = array<i32>} : memref<2x1024x32xf32, #tpu.memory_space<vmem>>, vector<16xf32>,
        %max3A_288 = arith.maximumf %get3A_281, %get3A_287 : vector<16xf32>
        %add3A_289 = arith.constant 2 : i32
        %add3A_290 = arith.addi %mul3A_136, %add3A_289 : i32
        %get3A_291 = arith.index_cast %rem3A_64 : i32 to index
        %get3A_292 = arith.index_cast %add3A_290 : i32 to index
        %get3A_293 = arith.constant 16 : index
        %get3A_294 = tpu.vector_load %arg7[%get3A_291, %get3A_292, %get3A_293] {strides = array<i32>} : memref<2x1024x32xf32, #tpu.memory_space<vmem>>, vector<16xf32>,
        %max3A_295 = arith.maximumf %max3A_288, %get3A_294 : vector<16xf32>
        %add3A_296 = arith.constant 3 : i32
        %add3A_297 = arith.addi %mul3A_136, %add3A_296 : i32
        %get3A_298 = arith.index_cast %rem3A_64 : i32 to index
        %get3A_299 = arith.index_cast %add3A_297 : i32 to index
        %get3A_300 = arith.constant 16 : index
        %get3A_301 = tpu.vector_load %arg7[%get3A_298, %get3A_299, %get3A_300] {strides = array<i32>} : memref<2x1024x32xf32, #tpu.memory_space<vmem>>, vector<16xf32>,
        %max3A_302 = arith.maximumf %max3A_295, %get3A_301 : vector<16xf32>
        %add3A_303 = arith.constant 4 : i32
        %add3A_304 = arith.addi %mul3A_136, %add3A_303 : i32
        %get3A_305 = arith.index_cast %rem3A_64 : i32 to index
        %get3A_306 = arith.index_cast %add3A_304 : i32 to index
        %get3A_307 = arith.constant 16 : index
        %get3A_308 = tpu.vector_load %arg7[%get3A_305, %get3A_306, %get3A_307] {strides = array<i32>} : memref<2x1024x32xf32, #tpu.memory_space<vmem>>, vector<16xf32>,
        %max3A_309 = arith.maximumf %max3A_302, %get3A_308 : vector<16xf32>
        %add3A_310 = arith.constant 5 : i32
        %add3A_311 = arith.addi %mul3A_136, %add3A_310 : i32
        %get3A_312 = arith.index_cast %rem3A_64 : i32 to index
        %get3A_313 = arith.index_cast %add3A_311 : i32 to index
        %get3A_314 = arith.constant 16 : index
        %get3A_315 = tpu.vector_load %arg7[%get3A_312, %get3A_313, %get3A_314] {strides = array<i32>} : memref<2x1024x32xf32, #tpu.memory_space<vmem>>, vector<16xf32>,
        %max3A_316 = arith.maximumf %max3A_309, %get3A_315 : vector<16xf32>
        %add3A_317 = arith.constant 6 : i32
        %add3A_318 = arith.addi %mul3A_136, %add3A_317 : i32
        %get3A_319 = arith.index_cast %rem3A_64 : i32 to index
        %get3A_320 = arith.index_cast %add3A_318 : i32 to index
        %get3A_321 = arith.constant 16 : index
        %get3A_322 = tpu.vector_load %arg7[%get3A_319, %get3A_320, %get3A_321] {strides = array<i32>} : memref<2x1024x32xf32, #tpu.memory_space<vmem>>, vector<16xf32>,
        %max3A_323 = arith.maximumf %max3A_316, %get3A_322 : vector<16xf32>
        %add3A_324 = arith.constant 7 : i32
        %add3A_325 = arith.addi %mul3A_136, %add3A_324 : i32
        %get3A_326 = arith.index_cast %rem3A_64 : i32 to index
        %get3A_327 = arith.index_cast %add3A_325 : i32 to index
        %get3A_328 = arith.constant 16 : index
        %get3A_329 = tpu.vector_load %arg7[%get3A_326, %get3A_327, %get3A_328] {strides = array<i32>} : memref<2x1024x32xf32, #tpu.memory_space<vmem>>, vector<16xf32>,
        %max3A_330 = arith.maximumf %max3A_323, %get3A_329 : vector<16xf32>
        %add3A_331 = arith.constant 8 : i32
        %add3A_332 = arith.addi %mul3A_136, %add3A_331 : i32
        %get3A_333 = arith.index_cast %rem3A_64 : i32 to index
        %get3A_334 = arith.index_cast %add3A_332 : i32 to index
        %get3A_335 = arith.constant 16 : index
        %get3A_336 = tpu.vector_load %arg7[%get3A_333, %get3A_334, %get3A_335] {strides = array<i32>} : memref<2x1024x32xf32, #tpu.memory_space<vmem>>, vector<16xf32>,
        %max3A_337 = arith.maximumf %max3A_330, %get3A_336 : vector<16xf32>
        %add3A_338 = arith.constant 9 : i32
        %add3A_339 = arith.addi %mul3A_136, %add3A_338 : i32
        %get3A_340 = arith.index_cast %rem3A_64 : i32 to index
        %get3A_341 = arith.index_cast %add3A_339 : i32 to index
        %get3A_342 = arith.constant 16 : index
        %get3A_343 = tpu.vector_load %arg7[%get3A_340, %get3A_341, %get3A_342] {strides = array<i32>} : memref<2x1024x32xf32, #tpu.memory_space<vmem>>, vector<16xf32>,
        %max3A_344 = arith.maximumf %max3A_337, %get3A_343 : vector<16xf32>
        %add3A_345 = arith.constant 10 : i32
        %add3A_346 = arith.addi %mul3A_136, %add3A_345 : i32
        %get3A_347 = arith.index_cast %rem3A_64 : i32 to index
        %get3A_348 = arith.index_cast %add3A_346 : i32 to index
        %get3A_349 = arith.constant 16 : index
        %get3A_350 = tpu.vector_load %arg7[%get3A_347, %get3A_348, %get3A_349] {strides = array<i32>} : memref<2x1024x32xf32, #tpu.memory_space<vmem>>, vector<16xf32>,
        %max3A_351 = arith.maximumf %max3A_344, %get3A_350 : vector<16xf32>
        %add3A_352 = arith.constant 11 : i32
        %add3A_353 = arith.addi %mul3A_136, %add3A_352 : i32
        %get3A_354 = arith.index_cast %rem3A_64 : i32 to index
        %get3A_355 = arith.index_cast %add3A_353 : i32 to index
        %get3A_356 = arith.constant 16 : index
        %get3A_357 = tpu.vector_load %arg7[%get3A_354, %get3A_355, %get3A_356] {strides = array<i32>} : memref<2x1024x32xf32, #tpu.memory_space<vmem>>, vector<16xf32>,
        %max3A_358 = arith.maximumf %max3A_351, %get3A_357 : vector<16xf32>
        %add3A_359 = arith.constant 12 : i32
        %add3A_360 = arith.addi %mul3A_136, %add3A_359 : i32
        %get3A_361 = arith.index_cast %rem3A_64 : i32 to index
        %get3A_362 = arith.index_cast %add3A_360 : i32 to index
        %get3A_363 = arith.constant 16 : index
        %get3A_364 = tpu.vector_load %arg7[%get3A_361, %get3A_362, %get3A_363] {strides = array<i32>} : memref<2x1024x32xf32, #tpu.memory_space<vmem>>, vector<16xf32>,
        %max3A_365 = arith.maximumf %max3A_358, %get3A_364 : vector<16xf32>
        %add3A_366 = arith.constant 13 : i32
        %add3A_367 = arith.addi %mul3A_136, %add3A_366 : i32
        %get3A_368 = arith.index_cast %rem3A_64 : i32 to index
        %get3A_369 = arith.index_cast %add3A_367 : i32 to index
        %get3A_370 = arith.constant 16 : index
        %get3A_371 = tpu.vector_load %arg7[%get3A_368, %get3A_369, %get3A_370] {strides = array<i32>} : memref<2x1024x32xf32, #tpu.memory_space<vmem>>, vector<16xf32>,
        %max3A_372 = arith.maximumf %max3A_365, %get3A_371 : vector<16xf32>
        %add3A_373 = arith.constant 14 : i32
        %add3A_374 = arith.addi %mul3A_136, %add3A_373 : i32
        %get3A_375 = arith.index_cast %rem3A_64 : i32 to index
        %get3A_376 = arith.index_cast %add3A_374 : i32 to index
        %get3A_377 = arith.constant 16 : index
        %get3A_378 = tpu.vector_load %arg7[%get3A_375, %get3A_376, %get3A_377] {strides = array<i32>} : memref<2x1024x32xf32, #tpu.memory_space<vmem>>, vector<16xf32>,
        %max3A_379 = arith.maximumf %max3A_372, %get3A_378 : vector<16xf32>
        %add3A_380 = arith.constant 15 : i32
        %add3A_381 = arith.addi %mul3A_136, %add3A_380 : i32
        %get3A_382 = arith.index_cast %rem3A_64 : i32 to index
        %get3A_383 = arith.index_cast %add3A_381 : i32 to index
        %get3A_384 = arith.constant 16 : index
        %get3A_385 = tpu.vector_load %arg7[%get3A_382, %get3A_383, %get3A_384] {strides = array<i32>} : memref<2x1024x32xf32, #tpu.memory_space<vmem>>, vector<16xf32>,
        %max3A_386 = arith.maximumf %max3A_379, %get3A_385 : vector<16xf32>
        %add3A_387 = arith.constant 16 : i32
        %add3A_388 = arith.addi %mul3A_136, %add3A_387 : i32
        %get3A_389 = arith.index_cast %rem3A_64 : i32 to index
        %get3A_390 = arith.index_cast %add3A_388 : i32 to index
        %get3A_391 = arith.constant 16 : index
        %get3A_392 = tpu.vector_load %arg7[%get3A_389, %get3A_390, %get3A_391] {strides = array<i32>} : memref<2x1024x32xf32, #tpu.memory_space<vmem>>, vector<16xf32>,
        %max3A_393 = arith.maximumf %max3A_386, %get3A_392 : vector<16xf32>
        %add3A_394 = arith.constant 17 : i32
        %add3A_395 = arith.addi %mul3A_136, %add3A_394 : i32
        %get3A_396 = arith.index_cast %rem3A_64 : i32 to index
        %get3A_397 = arith.index_cast %add3A_395 : i32 to index
        %get3A_398 = arith.constant 16 : index
        %get3A_399 = tpu.vector_load %arg7[%get3A_396, %get3A_397, %get3A_398] {strides = array<i32>} : memref<2x1024x32xf32, #tpu.memory_space<vmem>>, vector<16xf32>,
        %max3A_400 = arith.maximumf %max3A_393, %get3A_399 : vector<16xf32>
        %add3A_401 = arith.constant 18 : i32
        %add3A_402 = arith.addi %mul3A_136, %add3A_401 : i32
        %get3A_403 = arith.index_cast %rem3A_64 : i32 to index
        %get3A_404 = arith.index_cast %add3A_402 : i32 to index
        %get3A_405 = arith.constant 16 : index
        %get3A_406 = tpu.vector_load %arg7[%get3A_403, %get3A_404, %get3A_405] {strides = array<i32>} : memref<2x1024x32xf32, #tpu.memory_space<vmem>>, vector<16xf32>,
        %max3A_407 = arith.maximumf %max3A_400, %get3A_406 : vector<16xf32>
        %add3A_408 = arith.constant 19 : i32
        %add3A_409 = arith.addi %mul3A_136, %add3A_408 : i32
        %get3A_410 = arith.index_cast %rem3A_64 : i32 to index
        %get3A_411 = arith.index_cast %add3A_409 : i32 to index
        %get3A_412 = arith.constant 16 : index
        %get3A_413 = tpu.vector_load %arg7[%get3A_410, %get3A_411, %get3A_412] {strides = array<i32>} : memref<2x1024x32xf32, #tpu.memory_space<vmem>>, vector<16xf32>,
        %max3A_414 = arith.maximumf %max3A_407, %get3A_413 : vector<16xf32>
        %mul3A_415 = arith.constant 32 : i32
        %mul3A_416 = arith.muli %while3A_134, %mul3A_415 : i32
        %add3A_417 = arith.constant 16 : i32
        %add3A_418 = arith.addi %mul3A_416, %add3A_417 : i32
        %swap3A_419 = arith.index_cast %add3A_418 : i32 to index
        %swap3A_420 = tpu.vector_load %arg8[%swap3A_419] {strides = array<i32>} : memref<1664xf32, #tpu.memory_space<vmem>>, vector<16xf32>,
        tpu.vector_store %arg8[%swap3A_419], %max3A_414 {strides = array<i32>} : memref<1664xf32, #tpu.memory_space<vmem>>, vector<16xf32>,
      }
      %while3A_130 = arith.constant 1 : i32
      scf.for %while3A_134 = %while3A_128 to %while3A_124 step %while3A_130  : i32 {
        %mul3A_135 = arith.constant 20 : i32
        %mul3A_136 = arith.muli %while3A_134, %mul3A_135 : i32
        %get3A_137 = arith.index_cast %rem3A_64 : i32 to index
        %get3A_138 = arith.index_cast %mul3A_136 : i32 to index
        %get3A_139 = arith.constant 0 : index
        %get3A_140 = tpu.vector_load %arg7[%get3A_137, %get3A_138, %get3A_139] {strides = array<i32>} : memref<2x1024x32xf32, #tpu.memory_space<vmem>>, vector<16xf32>,
        %add3A_141 = arith.constant 1 : i32
        %add3A_142 = arith.addi %mul3A_136, %add3A_141 : i32
        %get3A_143 = arith.index_cast %rem3A_64 : i32 to index
        %get3A_144 = arith.index_cast %add3A_142 : i32 to index
        %get3A_145 = arith.constant 0 : index
        %get3A_146 = tpu.vector_load %arg7[%get3A_143, %get3A_144, %get3A_145] {strides = array<i32>} : memref<2x1024x32xf32, #tpu.memory_space<vmem>>, vector<16xf32>,
        %max3A = arith.maximumf %get3A_140, %get3A_146 : vector<16xf32>
        %add3A_147 = arith.constant 2 : i32
        %add3A_148 = arith.addi %mul3A_136, %add3A_147 : i32
        %get3A_149 = arith.index_cast %rem3A_64 : i32 to index
        %get3A_150 = arith.index_cast %add3A_148 : i32 to index
        %get3A_151 = arith.constant 0 : index
        %get3A_152 = tpu.vector_load %arg7[%get3A_149, %get3A_150, %get3A_151] {strides = array<i32>} : memref<2x1024x32xf32, #tpu.memory_space<vmem>>, vector<16xf32>,
        %max3A_153 = arith.maximumf %max3A, %get3A_152 : vector<16xf32>
        %add3A_154 = arith.constant 3 : i32
        %add3A_155 = arith.addi %mul3A_136, %add3A_154 : i32
        %get3A_156 = arith.index_cast %rem3A_64 : i32 to index
        %get3A_157 = arith.index_cast %add3A_155 : i32 to index
        %get3A_158 = arith.constant 0 : index
        %get3A_159 = tpu.vector_load %arg7[%get3A_156, %get3A_157, %get3A_158] {strides = array<i32>} : memref<2x1024x32xf32, #tpu.memory_space<vmem>>, vector<16xf32>,
        %max3A_160 = arith.maximumf %max3A_153, %get3A_159 : vector<16xf32>
        %add3A_161 = arith.constant 4 : i32
        %add3A_162 = arith.addi %mul3A_136, %add3A_161 : i32
        %get3A_163 = arith.index_cast %rem3A_64 : i32 to index
        %get3A_164 = arith.index_cast %add3A_162 : i32 to index
        %get3A_165 = arith.constant 0 : index
        %get3A_166 = tpu.vector_load %arg7[%get3A_163, %get3A_164, %get3A_165] {strides = array<i32>} : memref<2x1024x32xf32, #tpu.memory_space<vmem>>, vector<16xf32>,
        %max3A_167 = arith.maximumf %max3A_160, %get3A_166 : vector<16xf32>
        %add3A_168 = arith.constant 5 : i32
        %add3A_169 = arith.addi %mul3A_136, %add3A_168 : i32
        %get3A_170 = arith.index_cast %rem3A_64 : i32 to index
        %get3A_171 = arith.index_cast %add3A_169 : i32 to index
        %get3A_172 = arith.constant 0 : index
        %get3A_173 = tpu.vector_load %arg7[%get3A_170, %get3A_171, %get3A_172] {strides = array<i32>} : memref<2x1024x32xf32, #tpu.memory_space<vmem>>, vector<16xf32>,
        %max3A_174 = arith.maximumf %max3A_167, %get3A_173 : vector<16xf32>
        %add3A_175 = arith.constant 6 : i32
        %add3A_176 = arith.addi %mul3A_136, %add3A_175 : i32
        %get3A_177 = arith.index_cast %rem3A_64 : i32 to index
        %get3A_178 = arith.index_cast %add3A_176 : i32 to index
        %get3A_179 = arith.constant 0 : index
        %get3A_180 = tpu.vector_load %arg7[%get3A_177, %get3A_178, %get3A_179] {strides = array<i32>} : memref<2x1024x32xf32, #tpu.memory_space<vmem>>, vector<16xf32>,
        %max3A_181 = arith.maximumf %max3A_174, %get3A_180 : vector<16xf32>
        %add3A_182 = arith.constant 7 : i32
        %add3A_183 = arith.addi %mul3A_136, %add3A_182 : i32
        %get3A_184 = arith.index_cast %rem3A_64 : i32 to index
        %get3A_185 = arith.index_cast %add3A_183 : i32 to index
        %get3A_186 = arith.constant 0 : index
        %get3A_187 = tpu.vector_load %arg7[%get3A_184, %get3A_185, %get3A_186] {strides = array<i32>} : memref<2x1024x32xf32, #tpu.memory_space<vmem>>, vector<16xf32>,
        %max3A_188 = arith.maximumf %max3A_181, %get3A_187 : vector<16xf32>
        %add3A_189 = arith.constant 8 : i32
        %add3A_190 = arith.addi %mul3A_136, %add3A_189 : i32
        %get3A_191 = arith.index_cast %rem3A_64 : i32 to index
        %get3A_192 = arith.index_cast %add3A_190 : i32 to index
        %get3A_193 = arith.constant 0 : index
        %get3A_194 = tpu.vector_load %arg7[%get3A_191, %get3A_192, %get3A_193] {strides = array<i32>} : memref<2x1024x32xf32, #tpu.memory_space<vmem>>, vector<16xf32>,
        %max3A_195 = arith.maximumf %max3A_188, %get3A_194 : vector<16xf32>
        %add3A_196 = arith.constant 9 : i32
        %add3A_197 = arith.addi %mul3A_136, %add3A_196 : i32
        %get3A_198 = arith.index_cast %rem3A_64 : i32 to index
        %get3A_199 = arith.index_cast %add3A_197 : i32 to index
        %get3A_200 = arith.constant 0 : index
        %get3A_201 = tpu.vector_load %arg7[%get3A_198, %get3A_199, %get3A_200] {strides = array<i32>} : memref<2x1024x32xf32, #tpu.memory_space<vmem>>, vector<16xf32>,
        %max3A_202 = arith.maximumf %max3A_195, %get3A_201 : vector<16xf32>
        %add3A_203 = arith.constant 10 : i32
        %add3A_204 = arith.addi %mul3A_136, %add3A_203 : i32
        %get3A_205 = arith.index_cast %rem3A_64 : i32 to index
        %get3A_206 = arith.index_cast %add3A_204 : i32 to index
        %get3A_207 = arith.constant 0 : index
        %get3A_208 = tpu.vector_load %arg7[%get3A_205, %get3A_206, %get3A_207] {strides = array<i32>} : memref<2x1024x32xf32, #tpu.memory_space<vmem>>, vector<16xf32>,
        %max3A_209 = arith.maximumf %max3A_202, %get3A_208 : vector<16xf32>
        %add3A_210 = arith.constant 11 : i32
        %add3A_211 = arith.addi %mul3A_136, %add3A_210 : i32
        %get3A_212 = arith.index_cast %rem3A_64 : i32 to index
        %get3A_213 = arith.index_cast %add3A_211 : i32 to index
        %get3A_214 = arith.constant 0 : index
        %get3A_215 = tpu.vector_load %arg7[%get3A_212, %get3A_213, %get3A_214] {strides = array<i32>} : memref<2x1024x32xf32, #tpu.memory_space<vmem>>, vector<16xf32>,
        %max3A_216 = arith.maximumf %max3A_209, %get3A_215 : vector<16xf32>
        %add3A_217 = arith.constant 12 : i32
        %add3A_218 = arith.addi %mul3A_136, %add3A_217 : i32
        %get3A_219 = arith.index_cast %rem3A_64 : i32 to index
        %get3A_220 = arith.index_cast %add3A_218 : i32 to index
        %get3A_221 = arith.constant 0 : index
        %get3A_222 = tpu.vector_load %arg7[%get3A_219, %get3A_220, %get3A_221] {strides = array<i32>} : memref<2x1024x32xf32, #tpu.memory_space<vmem>>, vector<16xf32>,
        %max3A_223 = arith.maximumf %max3A_216, %get3A_222 : vector<16xf32>
        %add3A_224 = arith.constant 13 : i32
        %add3A_225 = arith.addi %mul3A_136, %add3A_224 : i32
        %get3A_226 = arith.index_cast %rem3A_64 : i32 to index
        %get3A_227 = arith.index_cast %add3A_225 : i32 to index
        %get3A_228 = arith.constant 0 : index
        %get3A_229 = tpu.vector_load %arg7[%get3A_226, %get3A_227, %get3A_228] {strides = array<i32>} : memref<2x1024x32xf32, #tpu.memory_space<vmem>>, vector<16xf32>,
        %max3A_230 = arith.maximumf %max3A_223, %get3A_229 : vector<16xf32>
        %add3A_231 = arith.constant 14 : i32
        %add3A_232 = arith.addi %mul3A_136, %add3A_231 : i32
        %get3A_233 = arith.index_cast %rem3A_64 : i32 to index
        %get3A_234 = arith.index_cast %add3A_232 : i32 to index
        %get3A_235 = arith.constant 0 : index
        %get3A_236 = tpu.vector_load %arg7[%get3A_233, %get3A_234, %get3A_235] {strides = array<i32>} : memref<2x1024x32xf32, #tpu.memory_space<vmem>>, vector<16xf32>,
        %max3A_237 = arith.maximumf %max3A_230, %get3A_236 : vector<16xf32>
        %add3A_238 = arith.constant 15 : i32
        %add3A_239 = arith.addi %mul3A_136, %add3A_238 : i32
        %get3A_240 = arith.index_cast %rem3A_64 : i32 to index
        %get3A_241 = arith.index_cast %add3A_239 : i32 to index
        %get3A_242 = arith.constant 0 : index
        %get3A_243 = tpu.vector_load %arg7[%get3A_240, %get3A_241, %get3A_242] {strides = array<i32>} : memref<2x1024x32xf32, #tpu.memory_space<vmem>>, vector<16xf32>,
        %max3A_244 = arith.maximumf %max3A_237, %get3A_243 : vector<16xf32>
        %add3A_245 = arith.constant 16 : i32
        %add3A_246 = arith.addi %mul3A_136, %add3A_245 : i32
        %get3A_247 = arith.index_cast %rem3A_64 : i32 to index
        %get3A_248 = arith.index_cast %add3A_246 : i32 to index
        %get3A_249 = arith.constant 0 : index
        %get3A_250 = tpu.vector_load %arg7[%get3A_247, %get3A_248, %get3A_249] {strides = array<i32>} : memref<2x1024x32xf32, #tpu.memory_space<vmem>>, vector<16xf32>,
        %max3A_251 = arith.maximumf %max3A_244, %get3A_250 : vector<16xf32>
        %add3A_252 = arith.constant 17 : i32
        %add3A_253 = arith.addi %mul3A_136, %add3A_252 : i32
        %get3A_254 = arith.index_cast %rem3A_64 : i32 to index
        %get3A_255 = arith.index_cast %add3A_253 : i32 to index
        %get3A_256 = arith.constant 0 : index
        %get3A_257 = tpu.vector_load %arg7[%get3A_254, %get3A_255, %get3A_256] {strides = array<i32>} : memref<2x1024x32xf32, #tpu.memory_space<vmem>>, vector<16xf32>,
        %max3A_258 = arith.maximumf %max3A_251, %get3A_257 : vector<16xf32>
        %add3A_259 = arith.constant 18 : i32
        %add3A_260 = arith.addi %mul3A_136, %add3A_259 : i32
        %get3A_261 = arith.index_cast %rem3A_64 : i32 to index
        %get3A_262 = arith.index_cast %add3A_260 : i32 to index
        %get3A_263 = arith.constant 0 : index
        %get3A_264 = tpu.vector_load %arg7[%get3A_261, %get3A_262, %get3A_263] {strides = array<i32>} : memref<2x1024x32xf32, #tpu.memory_space<vmem>>, vector<16xf32>,
        %max3A_265 = arith.maximumf %max3A_258, %get3A_264 : vector<16xf32>
        %add3A_266 = arith.constant 19 : i32
        %add3A_267 = arith.addi %mul3A_136, %add3A_266 : i32
        %get3A_268 = arith.index_cast %rem3A_64 : i32 to index
        %get3A_269 = arith.index_cast %add3A_267 : i32 to index
        %get3A_270 = arith.constant 0 : index
        %get3A_271 = tpu.vector_load %arg7[%get3A_268, %get3A_269, %get3A_270] {strides = array<i32>} : memref<2x1024x32xf32, #tpu.memory_space<vmem>>, vector<16xf32>,
        %max3A_272 = arith.maximumf %max3A_265, %get3A_271 : vector<16xf32>
        %mul3A_273 = arith.constant 32 : i32
        %mul3A_274 = arith.muli %while3A_134, %mul3A_273 : i32
        %add3A_275 = arith.constant 0 : i32
        %add3A_276 = arith.addi %mul3A_274, %add3A_275 : i32
        %swap3A = arith.index_cast %add3A_276 : i32 to index
        %swap3A_277 = tpu.vector_load %arg8[%swap3A] {strides = array<i32>} : memref<1664xf32, #tpu.memory_space<vmem>>, vector<16xf32>,
        tpu.vector_store %arg8[%swap3A], %max3A_272 {strides = array<i32>} : memref<1664xf32, #tpu.memory_space<vmem>>, vector<16xf32>,
        %get3A_278 = arith.index_cast %rem3A_64 : i32 to index
        %get3A_279 = arith.index_cast %mul3A_136 : i32 to index
        %get3A_280 = arith.constant 16 : index
        %get3A_281 = tpu.vector_load %arg7[%get3A_278, %get3A_279, %get3A_280] {strides = array<i32>} : memref<2x1024x32xf32, #tpu.memory_space<vmem>>, vector<16xf32>,
        %add3A_282 = arith.constant 1 : i32
        %add3A_283 = arith.addi %mul3A_136, %add3A_282 : i32
        %get3A_284 = arith.index_cast %rem3A_64 : i32 to index
        %get3A_285 = arith.index_cast %add3A_283 : i32 to index
        %get3A_286 = arith.constant 16 : index
        %get3A_287 = tpu.vector_load %arg7[%get3A_284, %get3A_285, %get3A_286] {strides = array<i32>} : memref<2x1024x32xf32, #tpu.memory_space<vmem>>, vector<16xf32>,
        %max3A_288 = arith.maximumf %get3A_281, %get3A_287 : vector<16xf32>
        %add3A_289 = arith.constant 2 : i32
        %add3A_290 = arith.addi %mul3A_136, %add3A_289 : i32
        %get3A_291 = arith.index_cast %rem3A_64 : i32 to index
        %get3A_292 = arith.index_cast %add3A_290 : i32 to index
        %get3A_293 = arith.constant 16 : index
        %get3A_294 = tpu.vector_load %arg7[%get3A_291, %get3A_292, %get3A_293] {strides = array<i32>} : memref<2x1024x32xf32, #tpu.memory_space<vmem>>, vector<16xf32>,
        %max3A_295 = arith.maximumf %max3A_288, %get3A_294 : vector<16xf32>
        %add3A_296 = arith.constant 3 : i32
        %add3A_297 = arith.addi %mul3A_136, %add3A_296 : i32
        %get3A_298 = arith.index_cast %rem3A_64 : i32 to index
        %get3A_299 = arith.index_cast %add3A_297 : i32 to index
        %get3A_300 = arith.constant 16 : index
        %get3A_301 = tpu.vector_load %arg7[%get3A_298, %get3A_299, %get3A_300] {strides = array<i32>} : memref<2x1024x32xf32, #tpu.memory_space<vmem>>, vector<16xf32>,
        %max3A_302 = arith.maximumf %max3A_295, %get3A_301 : vector<16xf32>
        %add3A_303 = arith.constant 4 : i32
        %add3A_304 = arith.addi %mul3A_136, %add3A_303 : i32
        %get3A_305 = arith.index_cast %rem3A_64 : i32 to index
        %get3A_306 = arith.index_cast %add3A_304 : i32 to index
        %get3A_307 = arith.constant 16 : index
        %get3A_308 = tpu.vector_load %arg7[%get3A_305, %get3A_306, %get3A_307] {strides = array<i32>} : memref<2x1024x32xf32, #tpu.memory_space<vmem>>, vector<16xf32>,
        %max3A_309 = arith.maximumf %max3A_302, %get3A_308 : vector<16xf32>
        %add3A_310 = arith.constant 5 : i32
        %add3A_311 = arith.addi %mul3A_136, %add3A_310 : i32
        %get3A_312 = arith.index_cast %rem3A_64 : i32 to index
        %get3A_313 = arith.index_cast %add3A_311 : i32 to index
        %get3A_314 = arith.constant 16 : index
        %get3A_315 = tpu.vector_load %arg7[%get3A_312, %get3A_313, %get3A_314] {strides = array<i32>} : memref<2x1024x32xf32, #tpu.memory_space<vmem>>, vector<16xf32>,
        %max3A_316 = arith.maximumf %max3A_309, %get3A_315 : vector<16xf32>
        %add3A_317 = arith.constant 6 : i32
        %add3A_318 = arith.addi %mul3A_136, %add3A_317 : i32
        %get3A_319 = arith.index_cast %rem3A_64 : i32 to index
        %get3A_320 = arith.index_cast %add3A_318 : i32 to index
        %get3A_321 = arith.constant 16 : index
        %get3A_322 = tpu.vector_load %arg7[%get3A_319, %get3A_320, %get3A_321] {strides = array<i32>} : memref<2x1024x32xf32, #tpu.memory_space<vmem>>, vector<16xf32>,
        %max3A_323 = arith.maximumf %max3A_316, %get3A_322 : vector<16xf32>
        %add3A_324 = arith.constant 7 : i32
        %add3A_325 = arith.addi %mul3A_136, %add3A_324 : i32
        %get3A_326 = arith.index_cast %rem3A_64 : i32 to index
        %get3A_327 = arith.index_cast %add3A_325 : i32 to index
        %get3A_328 = arith.constant 16 : index
        %get3A_329 = tpu.vector_load %arg7[%get3A_326, %get3A_327, %get3A_328] {strides = array<i32>} : memref<2x1024x32xf32, #tpu.memory_space<vmem>>, vector<16xf32>,
        %max3A_330 = arith.maximumf %max3A_323, %get3A_329 : vector<16xf32>
        %add3A_331 = arith.constant 8 : i32
        %add3A_332 = arith.addi %mul3A_136, %add3A_331 : i32
        %get3A_333 = arith.index_cast %rem3A_64 : i32 to index
        %get3A_334 = arith.index_cast %add3A_332 : i32 to index
        %get3A_335 = arith.constant 16 : index
        %get3A_336 = tpu.vector_load %arg7[%get3A_333, %get3A_334, %get3A_335] {strides = array<i32>} : memref<2x1024x32xf32, #tpu.memory_space<vmem>>, vector<16xf32>,
        %max3A_337 = arith.maximumf %max3A_330, %get3A_336 : vector<16xf32>
        %add3A_338 = arith.constant 9 : i32
        %add3A_339 = arith.addi %mul3A_136, %add3A_338 : i32
        %get3A_340 = arith.index_cast %rem3A_64 : i32 to index
        %get3A_341 = arith.index_cast %add3A_339 : i32 to index
        %get3A_342 = arith.constant 16 : index
        %get3A_343 = tpu.vector_load %arg7[%get3A_340, %get3A_341, %get3A_342] {strides = array<i32>} : memref<2x1024x32xf32, #tpu.memory_space<vmem>>, vector<16xf32>,
        %max3A_344 = arith.maximumf %max3A_337, %get3A_343 : vector<16xf32>
        %add3A_345 = arith.constant 10 : i32
        %add3A_346 = arith.addi %mul3A_136, %add3A_345 : i32
        %get3A_347 = arith.index_cast %rem3A_64 : i32 to index
        %get3A_348 = arith.index_cast %add3A_346 : i32 to index
        %get3A_349 = arith.constant 16 : index
        %get3A_350 = tpu.vector_load %arg7[%get3A_347, %get3A_348, %get3A_349] {strides = array<i32>} : memref<2x1024x32xf32, #tpu.memory_space<vmem>>, vector<16xf32>,
        %max3A_351 = arith.maximumf %max3A_344, %get3A_350 : vector<16xf32>
        %add3A_352 = arith.constant 11 : i32
        %add3A_353 = arith.addi %mul3A_136, %add3A_352 : i32
        %get3A_354 = arith.index_cast %rem3A_64 : i32 to index
        %get3A_355 = arith.index_cast %add3A_353 : i32 to index
        %get3A_356 = arith.constant 16 : index
        %get3A_357 = tpu.vector_load %arg7[%get3A_354, %get3A_355, %get3A_356] {strides = array<i32>} : memref<2x1024x32xf32, #tpu.memory_space<vmem>>, vector<16xf32>,
        %max3A_358 = arith.maximumf %max3A_351, %get3A_357 : vector<16xf32>
        %add3A_359 = arith.constant 12 : i32
        %add3A_360 = arith.addi %mul3A_136, %add3A_359 : i32
        %get3A_361 = arith.index_cast %rem3A_64 : i32 to index
        %get3A_362 = arith.index_cast %add3A_360 : i32 to index
        %get3A_363 = arith.constant 16 : index
        %get3A_364 = tpu.vector_load %arg7[%get3A_361, %get3A_362, %get3A_363] {strides = array<i32>} : memref<2x1024x32xf32, #tpu.memory_space<vmem>>, vector<16xf32>,
        %max3A_365 = arith.maximumf %max3A_358, %get3A_364 : vector<16xf32>
        %add3A_366 = arith.constant 13 : i32
        %add3A_367 = arith.addi %mul3A_136, %add3A_366 : i32
        %get3A_368 = arith.index_cast %rem3A_64 : i32 to index
        %get3A_369 = arith.index_cast %add3A_367 : i32 to index
        %get3A_370 = arith.constant 16 : index
        %get3A_371 = tpu.vector_load %arg7[%get3A_368, %get3A_369, %get3A_370] {strides = array<i32>} : memref<2x1024x32xf32, #tpu.memory_space<vmem>>, vector<16xf32>,
        %max3A_372 = arith.maximumf %max3A_365, %get3A_371 : vector<16xf32>
        %add3A_373 = arith.constant 14 : i32
        %add3A_374 = arith.addi %mul3A_136, %add3A_373 : i32
        %get3A_375 = arith.index_cast %rem3A_64 : i32 to index
        %get3A_376 = arith.index_cast %add3A_374 : i32 to index
        %get3A_377 = arith.constant 16 : index
        %get3A_378 = tpu.vector_load %arg7[%get3A_375, %get3A_376, %get3A_377] {strides = array<i32>} : memref<2x1024x32xf32, #tpu.memory_space<vmem>>, vector<16xf32>,
        %max3A_379 = arith.maximumf %max3A_372, %get3A_378 : vector<16xf32>
        %add3A_380 = arith.constant 15 : i32
        %add3A_381 = arith.addi %mul3A_136, %add3A_380 : i32
        %get3A_382 = arith.index_cast %rem3A_64 : i32 to index
        %get3A_383 = arith.index_cast %add3A_381 : i32 to index
        %get3A_384 = arith.constant 16 : index
        %get3A_385 = tpu.vector_load %arg7[%get3A_382, %get3A_383, %get3A_384] {strides = array<i32>} : memref<2x1024x32xf32, #tpu.memory_space<vmem>>, vector<16xf32>,
        %max3A_386 = arith.maximumf %max3A_379, %get3A_385 : vector<16xf32>
        %add3A_387 = arith.constant 16 : i32
        %add3A_388 = arith.addi %mul3A_136, %add3A_387 : i32
        %get3A_389 = arith.index_cast %rem3A_64 : i32 to index
        %get3A_390 = arith.index_cast %add3A_388 : i32 to index
        %get3A_391 = arith.constant 16 : index
        %get3A_392 = tpu.vector_load %arg7[%get3A_389, %get3A_390, %get3A_391] {strides = array<i32>} : memref<2x1024x32xf32, #tpu.memory_space<vmem>>, vector<16xf32>,
        %max3A_393 = arith.maximumf %max3A_386, %get3A_392 : vector<16xf32>
        %add3A_394 = arith.constant 17 : i32
        %add3A_395 = arith.addi %mul3A_136, %add3A_394 : i32
        %get3A_396 = arith.index_cast %rem3A_64 : i32 to index
        %get3A_397 = arith.index_cast %add3A_395 : i32 to index
        %get3A_398 = arith.constant 16 : index
        %get3A_399 = tpu.vector_load %arg7[%get3A_396, %get3A_397, %get3A_398] {strides = array<i32>} : memref<2x1024x32xf32, #tpu.memory_space<vmem>>, vector<16xf32>,
        %max3A_400 = arith.maximumf %max3A_393, %get3A_399 : vector<16xf32>
        %add3A_401 = arith.constant 18 : i32
        %add3A_402 = arith.addi %mul3A_136, %add3A_401 : i32
        %get3A_403 = arith.index_cast %rem3A_64 : i32 to index
        %get3A_404 = arith.index_cast %add3A_402 : i32 to index
        %get3A_405 = arith.constant 16 : index
        %get3A_406 = tpu.vector_load %arg7[%get3A_403, %get3A_404, %get3A_405] {strides = array<i32>} : memref<2x1024x32xf32, #tpu.memory_space<vmem>>, vector<16xf32>,
        %max3A_407 = arith.maximumf %max3A_400, %get3A_406 : vector<16xf32>
        %add3A_408 = arith.constant 19 : i32
        %add3A_409 = arith.addi %mul3A_136, %add3A_408 : i32
        %get3A_410 = arith.index_cast %rem3A_64 : i32 to index
        %get3A_411 = arith.index_cast %add3A_409 : i32 to index
        %get3A_412 = arith.constant 16 : index
        %get3A_413 = tpu.vector_load %arg7[%get3A_410, %get3A_411, %get3A_412] {strides = array<i32>} : memref<2x1024x32xf32, #tpu.memory_space<vmem>>, vector<16xf32>,
        %max3A_414 = arith.maximumf %max3A_407, %get3A_413 : vector<16xf32>
        %mul3A_415 = arith.constant 32 : i32
        %mul3A_416 = arith.muli %while3A_134, %mul3A_415 : i32
        %add3A_417 = arith.constant 16 : i32
        %add3A_418 = arith.addi %mul3A_416, %add3A_417 : i32
        %swap3A_419 = arith.index_cast %add3A_418 : i32 to index
        %swap3A_420 = tpu.vector_load %arg8[%swap3A_419] {strides = array<i32>} : memref<1664xf32, #tpu.memory_space<vmem>>, vector<16xf32>,
        tpu.vector_store %arg8[%swap3A_419], %max3A_414 {strides = array<i32>} : memref<1664xf32, #tpu.memory_space<vmem>>, vector<16xf32>,
      }
      %mul3A_131 = arith.constant 32 : i32
      %mul3A_132 = arith.muli %mul3A_131, %scan3A_62 : i32
      %add3A_133 = arith.addi %add3A, %mul3A_132 : i32
      "tpu.region"() ({
        %run_scoped3A_134 = tpu.sem_alloc : memref<!tpu.dma_semaphore, #tpu.memory_space<semaphore_mem>>
        %dma_start3A = arith.constant 0 : i32
        %dma_start3A_135 = tpu.memref_slice %arg5[%add3A_133, %dma_start3A] : memref<1024x1664xf32, #tpu.memory_space<hbm>> -> memref<1x1664xf32, #tpu.memory_space<hbm>>
        %dma_start3A_136 = tpu.memref_squeeze %dma_start3A_135 : memref<1x1664xf32, #tpu.memory_space<hbm>> -> memref<1664xf32, #tpu.memory_space<hbm>>
        %dma_start3A_137 = arith.constant 0 : i32
        %dma_start3A_138 = tpu.memref_slice %arg5[%add3A_133, %dma_start3A_137] : memref<1024x1664xf32, #tpu.memory_space<hbm>> -> memref<1x1664xf32, #tpu.memory_space<hbm>>
        %dma_start3A_139 = tpu.memref_squeeze %dma_start3A_138 : memref<1x1664xf32, #tpu.memory_space<hbm>> -> memref<1664xf32, #tpu.memory_space<hbm>>
        tpu.enqueue_dma source(%arg8 : memref<1664xf32, #tpu.memory_space<vmem>>) target(%dma_start3A_139 : memref<1664xf32, #tpu.memory_space<hbm>>) target_semaphore(%run_scoped3A_134 : memref<!tpu.dma_semaphore, #tpu.memory_space<semaphore_mem>>)
        %dma_wait3A = arith.constant 0 : i32
        %dma_wait3A_140 = tpu.memref_slice %arg5[%add3A_133, %dma_wait3A] : memref<1024x1664xf32, #tpu.memory_space<hbm>> -> memref<1x1664xf32, #tpu.memory_space<hbm>>
        %dma_wait3A_141 = tpu.memref_squeeze %dma_wait3A_140 : memref<1x1664xf32, #tpu.memory_space<hbm>> -> memref<1664xf32, #tpu.memory_space<hbm>>
        %dma_wait3A_142 = arith.constant 0 : i32
        %dma_wait3A_143 = tpu.memref_slice %arg5[%add3A_133, %dma_wait3A_142] : memref<1024x1664xf32, #tpu.memory_space<hbm>> -> memref<1x1664xf32, #tpu.memory_space<hbm>>
        %dma_wait3A_144 = tpu.memref_squeeze %dma_wait3A_143 : memref<1x1664xf32, #tpu.memory_space<hbm>> -> memref<1664xf32, #tpu.memory_space<hbm>>
        tpu.wait_dma2 semaphore(%run_scoped3A_134 : memref<!tpu.dma_semaphore, #tpu.memory_space<semaphore_mem>>) src(%arg8 : memref<1664xf32, #tpu.memory_space<vmem>>) dst(%dma_wait3A_144 : memref<1664xf32, #tpu.memory_space<hbm>>)
        tpu.yield
      }) : () -> ()
    }
    %scan3A_61 = arith.constant 32 : i32
    return
  }
}

module attributes {stable_mosaic.version = 14 : i64} {
  func.func @_detile_body(%arg0: i32, %arg1: memref<32x16384xf32, #tpu.memory_space<vmem>>, %arg2: memref<4096x128xf32, #tpu.memory_space<vmem>>) attributes {dimension_semantics = [#tpu.dimension_semantics<arbitrary>], iteration_bounds = array<i64: 62>, scalar_prefetch = 0 : i64, scratch_operands = 0 : i64, tpu.core_type = #tpu.core_type<tc>, window_params = [{transform_indices = @transform_0, window_bounds = array<i64: 32, 16384>}, {transform_indices = @transform_1, window_bounds = array<i64: 4096, 128>}]} {
    %get3A = arith.constant 0 : index
    %get3A_0 = arith.constant 0 : index
    %get3A_1 = vector.load %arg1[%get3A, %get3A_0] : memref<32x16384xf32, #tpu.memory_space<vmem>>, vector<32x16384xf32>
    %slice3A = vector.extract_strided_slice %get3A_1 {offsets = [0, 0], sizes = [32, 4096], strides = [1, 1]} : vector<32x16384xf32> to vector<32x4096xf32>
    %slice3A_2 = vector.extract_strided_slice %get3A_1 {offsets = [0, 4096], sizes = [32, 4096], strides = [1, 1]} : vector<32x16384xf32> to vector<32x4096xf32>
    %slice3A_3 = vector.extract_strided_slice %get3A_1 {offsets = [0, 8192], sizes = [32, 4096], strides = [1, 1]} : vector<32x16384xf32> to vector<32x4096xf32>
    %slice3A_4 = vector.extract_strided_slice %get3A_1 {offsets = [0, 12288], sizes = [32, 4096], strides = [1, 1]} : vector<32x16384xf32> to vector<32x4096xf32>
    %concatenate3A = tpu.concatenate %slice3A, %slice3A_2, %slice3A_3, %slice3A_4 in 0 : vector<32x4096xf32>, vector<32x4096xf32>, vector<32x4096xf32>, vector<32x4096xf32> -> vector<128x4096xf32>
    %transpose3A = tpu.transpose %concatenate3A, [1, 0] : vector<128x4096xf32> -> vector<4096x128xf32>
    %swap3A = arith.constant 0 : index
    %swap3A_5 = arith.constant 0 : index
    %swap3A_6 = vector.load %arg2[%swap3A, %swap3A_5] : memref<4096x128xf32, #tpu.memory_space<vmem>>, vector<4096x128xf32>
    tpu.vector_store %arg2[%swap3A, %swap3A_5], %transpose3A {strides = array<i32>} : memref<4096x128xf32, #tpu.memory_space<vmem>>, vector<4096x128xf32>,
    return
  }
  func.func @transform_0(%arg0: i32) -> (i32, i32) {
    %c0_i32 = arith.constant 0 : i32
    %c0_i32_0 = arith.constant 0 : i32
    return %c0_i32, %arg0 : i32, i32
  }
  func.func @transform_1(%arg0: i32) -> (i32, i32) {
    %c0_i32 = arith.constant 0 : i32
    %c0_i32_0 = arith.constant 0 : i32
    return %arg0, %c0_i32 : i32, i32
  }
}

module attributes {stable_mosaic.version = 14 : i64} {
  func.func @_gru_body(%arg0: memref<1024x13x128xf32, #tpu.memory_space<vmem>>, %arg1: memref<1024x1xi32, #tpu.memory_space<vmem>>, %arg2: memref<1024x32xf32, #tpu.memory_space<vmem>>, %arg3: memref<32x96xf32, #tpu.memory_space<vmem>>, %arg4: memref<32x96xf32, #tpu.memory_space<vmem>>, %arg5: memref<1x96xf32, #tpu.memory_space<vmem>>, %arg6: memref<1x96xf32, #tpu.memory_space<vmem>>, %arg7: memref<1024x13x128xf32, #tpu.memory_space<vmem>>, %arg8: memref<1024x32xf32, #tpu.memory_space<vmem>>) attributes {dimension_semantics = [], scalar_prefetch = 0 : i64, scratch_operands = 0 : i64, tpu.core_type = #tpu.core_type<tc>} {
    %get3A = arith.constant 0 : index
    %get3A_0 = arith.constant 0 : index
    %get3A_1 = vector.load %arg3[%get3A, %get3A_0] : memref<32x96xf32, #tpu.memory_space<vmem>>, vector<32x96xf32>
    %get3A_2 = arith.constant 0 : index
    %get3A_3 = arith.constant 0 : index
    %get3A_4 = vector.load %arg4[%get3A_2, %get3A_3] : memref<32x96xf32, #tpu.memory_space<vmem>>, vector<32x96xf32>
    %get3A_5 = arith.constant 0 : index
    %get3A_6 = arith.constant 0 : index
    %get3A_7 = vector.load %arg5[%get3A_5, %get3A_6] : memref<1x96xf32, #tpu.memory_space<vmem>>, vector<1x96xf32>
    %get3A_8 = arith.constant 0 : index
    %get3A_9 = arith.constant 0 : index
    %get3A_10 = vector.load %arg6[%get3A_8, %get3A_9] : memref<1x96xf32, #tpu.memory_space<vmem>>, vector<1x96xf32>
    %get3A_11 = arith.constant 0 : index
    %get3A_12 = arith.constant 0 : index
    %get3A_13 = vector.load %arg1[%get3A_11, %get3A_12] : memref<1024x1xi32, #tpu.memory_space<vmem>>, vector<1024x1xi32>
    %get3A_14 = arith.constant 0 : index
    %get3A_15 = arith.constant 0 : index
    %get3A_16 = vector.load %arg2[%get3A_14, %get3A_15] : memref<1024x32xf32, #tpu.memory_space<vmem>>, vector<1024x32xf32>
    %scan3A = arith.constant 0 : i32
    %scan3A_17 = arith.constant 13 : i32
    %scan3A_18 = arith.addi %scan3A, %scan3A_17 : i32
    %scan3A_19 = arith.constant 1 : i32
    %scan3A_20 = scf.for %scan3A_24 = %scan3A to %scan3A_18 step %scan3A_19 iter_args(%scan3A_25 = %get3A_16) -> (vector<1024x32xf32>)  : i32 {
      %get3A_26 = arith.constant 0 : index
      %get3A_27 = arith.index_cast %scan3A_24 : i32 to index
      %get3A_28 = arith.constant 0 : index
      %get3A_29 = vector.load %arg0[%get3A_26, %get3A_27, %get3A_28] : memref<1024x13x128xf32, #tpu.memory_space<vmem>>, vector<1024x1x128xf32>
      %get3A_30 = vector.shape_cast %get3A_29 : vector<1024x1x128xf32> to vector<1024x128xf32>
      %mul3A = arith.constant 4 : i32
      %mul3A_31 = arith.muli %mul3A, %scan3A_24 : i32
      %add3A = arith.constant 0 : i32
      %add3A_32 = arith.addi %mul3A_31, %add3A : i32
      %slice3A = vector.extract_strided_slice %get3A_30 {offsets = [0, 0], sizes = [1024, 32], strides = [1, 1]} : vector<1024x128xf32> to vector<1024x32xf32>
      %dot_general3A = arith.constant dense<0.000000e+00> : vector<1024x96xf32>
      %dot_general3A_33 = tpu.matmul %slice3A, %get3A_1, %dot_general3A {dimension_numbers = #tpu.dot_dimension_numbers<[1], [0], [0], [1], [0, 0, 1, 1], [], []>, transpose_lhs_hint = false} : vector<1024x32xf32>, vector<32x96xf32>, vector<1024x96xf32> -> vector<1024x96xf32>
      %add3A_34 = vector.broadcast %get3A_7 : vector<1x96xf32> to vector<1024x96xf32>
      %add3A_35 = arith.addf %dot_general3A_33, %add3A_34 : vector<1024x96xf32>
      %dot_general3A_36 = arith.constant dense<0.000000e+00> : vector<1024x96xf32>
      %dot_general3A_37 = tpu.matmul %scan3A_25, %get3A_4, %dot_general3A_36 {dimension_numbers = #tpu.dot_dimension_numbers<[1], [0], [0], [1], [0, 0, 1, 1], [], []>, transpose_lhs_hint = false} : vector<1024x32xf32>, vector<32x96xf32>, vector<1024x96xf32> -> vector<1024x96xf32>
      %add3A_38 = vector.broadcast %get3A_10 : vector<1x96xf32> to vector<1024x96xf32>
      %add3A_39 = arith.addf %dot_general3A_37, %add3A_38 : vector<1024x96xf32>
      %slice3A_40 = vector.extract_strided_slice %add3A_35 {offsets = [0, 0], sizes = [1024, 32], strides = [1, 1]} : vector<1024x96xf32> to vector<1024x32xf32>
      %slice3A_41 = vector.extract_strided_slice %add3A_39 {offsets = [0, 0], sizes = [1024, 32], strides = [1, 1]} : vector<1024x96xf32> to vector<1024x32xf32>
      %add3A_42 = arith.addf %slice3A_40, %slice3A_41 : vector<1024x32xf32>
      %logistic3A = arith.negf %add3A_42 : vector<1024x32xf32>
      %logistic3A_43 = math.exp %logistic3A : vector<1024x32xf32>
      %logistic3A_44 = arith.constant 1.000000e+00 : f32
      %logistic3A_45 = vector.broadcast %logistic3A_44 : f32 to vector<1024x32xf32>
      %logistic3A_46 = arith.addf %logistic3A_45, %logistic3A_43 : vector<1024x32xf32>
      %logistic3A_47 = arith.divf %logistic3A_45, %logistic3A_46 : vector<1024x32xf32>
      %slice3A_48 = vector.extract_strided_slice %add3A_35 {offsets = [0, 32], sizes = [1024, 32], strides = [1, 1]} : vector<1024x96xf32> to vector<1024x32xf32>
      %slice3A_49 = vector.extract_strided_slice %add3A_39 {offsets = [0, 32], sizes = [1024, 32], strides = [1, 1]} : vector<1024x96xf32> to vector<1024x32xf32>
      %add3A_50 = arith.addf %slice3A_48, %slice3A_49 : vector<1024x32xf32>
      %logistic3A_51 = arith.negf %add3A_50 : vector<1024x32xf32>
      %logistic3A_52 = math.exp %logistic3A_51 : vector<1024x32xf32>
      %logistic3A_53 = arith.constant 1.000000e+00 : f32
      %logistic3A_54 = vector.broadcast %logistic3A_53 : f32 to vector<1024x32xf32>
      %logistic3A_55 = arith.addf %logistic3A_54, %logistic3A_52 : vector<1024x32xf32>
      %logistic3A_56 = arith.divf %logistic3A_54, %logistic3A_55 : vector<1024x32xf32>
      %slice3A_57 = vector.extract_strided_slice %add3A_35 {offsets = [0, 64], sizes = [1024, 32], strides = [1, 1]} : vector<1024x96xf32> to vector<1024x32xf32>
      %slice3A_58 = vector.extract_strided_slice %add3A_39 {offsets = [0, 64], sizes = [1024, 32], strides = [1, 1]} : vector<1024x96xf32> to vector<1024x32xf32>
      %mul3A_59 = arith.mulf %logistic3A_47, %slice3A_58 : vector<1024x32xf32>
      %add3A_60 = arith.addf %slice3A_57, %mul3A_59 : vector<1024x32xf32>
      %tanh3A = math.tanh %add3A_60 : vector<1024x32xf32>
      %sub3A = arith.constant 1.000000e+00 : f32
      %sub3A_61 = vector.broadcast %sub3A : f32 to vector<1024x32xf32>
      %sub3A_62 = arith.subf %sub3A_61, %logistic3A_56 : vector<1024x32xf32>
      %mul3A_63 = arith.mulf %sub3A_62, %tanh3A : vector<1024x32xf32>
      %mul3A_64 = arith.mulf %logistic3A_56, %scan3A_25 : vector<1024x32xf32>
      %add3A_65 = arith.addf %mul3A_63, %mul3A_64 : vector<1024x32xf32>
      %gt3A = vector.broadcast %add3A_32 : i32 to vector<1024x1xi32>
      %gt3A_66 = arith.cmpi sgt, %get3A_13, %gt3A : vector<1024x1xi32>
      %jit3A = arith.constant 0.000000e+00 : f32
      %broadcast_in_dim3A = vector.shape_cast %gt3A_66 : vector<1024x1xi1> to vector<1024x1xi1>
      %broadcast_in_dim3A_67 = vector.broadcast %broadcast_in_dim3A : vector<1024x1xi1> to vector<1024x32xi1>
      %broadcast_in_dim3A_68 = vector.broadcast %jit3A : f32 to vector<1024x32xf32>
      %select_n3A = arith.select %broadcast_in_dim3A_67, %add3A_65, %broadcast_in_dim3A_68 : vector<1024x32xi1>, vector<1024x32xf32>
      %broadcast_in_dim3A_69 = vector.shape_cast %gt3A_66 : vector<1024x1xi1> to vector<1024x1xi1>
      %broadcast_in_dim3A_70 = vector.broadcast %broadcast_in_dim3A_69 : vector<1024x1xi1> to vector<1024x32xi1>
      %select_n3A_71 = arith.select %broadcast_in_dim3A_70, %add3A_65, %scan3A_25 : vector<1024x32xi1>, vector<1024x32xf32>
      %mul3A_72 = arith.constant 4 : i32
      %mul3A_73 = arith.muli %mul3A_72, %scan3A_24 : i32
      %add3A_74 = arith.constant 1 : i32
      %add3A_75 = arith.addi %mul3A_73, %add3A_74 : i32
      %slice3A_76 = vector.extract_strided_slice %get3A_30 {offsets = [0, 32], sizes = [1024, 32], strides = [1, 1]} : vector<1024x128xf32> to vector<1024x32xf32>
      %dot_general3A_77 = arith.constant dense<0.000000e+00> : vector<1024x96xf32>
      %dot_general3A_78 = tpu.matmul %slice3A_76, %get3A_1, %dot_general3A_77 {dimension_numbers = #tpu.dot_dimension_numbers<[1], [0], [0], [1], [0, 0, 1, 1], [], []>, transpose_lhs_hint = false} : vector<1024x32xf32>, vector<32x96xf32>, vector<1024x96xf32> -> vector<1024x96xf32>
      %add3A_79 = vector.broadcast %get3A_7 : vector<1x96xf32> to vector<1024x96xf32>
      %add3A_80 = arith.addf %dot_general3A_78, %add3A_79 : vector<1024x96xf32>
      %dot_general3A_81 = arith.constant dense<0.000000e+00> : vector<1024x96xf32>
      %dot_general3A_82 = tpu.matmul %select_n3A_71, %get3A_4, %dot_general3A_81 {dimension_numbers = #tpu.dot_dimension_numbers<[1], [0], [0], [1], [0, 0, 1, 1], [], []>, transpose_lhs_hint = false} : vector<1024x32xf32>, vector<32x96xf32>, vector<1024x96xf32> -> vector<1024x96xf32>
      %add3A_83 = vector.broadcast %get3A_10 : vector<1x96xf32> to vector<1024x96xf32>
      %add3A_84 = arith.addf %dot_general3A_82, %add3A_83 : vector<1024x96xf32>
      %slice3A_85 = vector.extract_strided_slice %add3A_80 {offsets = [0, 0], sizes = [1024, 32], strides = [1, 1]} : vector<1024x96xf32> to vector<1024x32xf32>
      %slice3A_86 = vector.extract_strided_slice %add3A_84 {offsets = [0, 0], sizes = [1024, 32], strides = [1, 1]} : vector<1024x96xf32> to vector<1024x32xf32>
      %add3A_87 = arith.addf %slice3A_85, %slice3A_86 : vector<1024x32xf32>
      %logistic3A_88 = arith.negf %add3A_87 : vector<1024x32xf32>
      %logistic3A_89 = math.exp %logistic3A_88 : vector<1024x32xf32>
      %logistic3A_90 = arith.constant 1.000000e+00 : f32
      %logistic3A_91 = vector.broadcast %logistic3A_90 : f32 to vector<1024x32xf32>
      %logistic3A_92 = arith.addf %logistic3A_91, %logistic3A_89 : vector<1024x32xf32>
      %logistic3A_93 = arith.divf %logistic3A_91, %logistic3A_92 : vector<1024x32xf32>
      %slice3A_94 = vector.extract_strided_slice %add3A_80 {offsets = [0, 32], sizes = [1024, 32], strides = [1, 1]} : vector<1024x96xf32> to vector<1024x32xf32>
      %slice3A_95 = vector.extract_strided_slice %add3A_84 {offsets = [0, 32], sizes = [1024, 32], strides = [1, 1]} : vector<1024x96xf32> to vector<1024x32xf32>
      %add3A_96 = arith.addf %slice3A_94, %slice3A_95 : vector<1024x32xf32>
      %logistic3A_97 = arith.negf %add3A_96 : vector<1024x32xf32>
      %logistic3A_98 = math.exp %logistic3A_97 : vector<1024x32xf32>
      %logistic3A_99 = arith.constant 1.000000e+00 : f32
      %logistic3A_100 = vector.broadcast %logistic3A_99 : f32 to vector<1024x32xf32>
      %logistic3A_101 = arith.addf %logistic3A_100, %logistic3A_98 : vector<1024x32xf32>
      %logistic3A_102 = arith.divf %logistic3A_100, %logistic3A_101 : vector<1024x32xf32>
      %slice3A_103 = vector.extract_strided_slice %add3A_80 {offsets = [0, 64], sizes = [1024, 32], strides = [1, 1]} : vector<1024x96xf32> to vector<1024x32xf32>
      %slice3A_104 = vector.extract_strided_slice %add3A_84 {offsets = [0, 64], sizes = [1024, 32], strides = [1, 1]} : vector<1024x96xf32> to vector<1024x32xf32>
      %mul3A_105 = arith.mulf %logistic3A_93, %slice3A_104 : vector<1024x32xf32>
      %add3A_106 = arith.addf %slice3A_103, %mul3A_105 : vector<1024x32xf32>
      %tanh3A_107 = math.tanh %add3A_106 : vector<1024x32xf32>
      %sub3A_108 = arith.constant 1.000000e+00 : f32
      %sub3A_109 = vector.broadcast %sub3A_108 : f32 to vector<1024x32xf32>
      %sub3A_110 = arith.subf %sub3A_109, %logistic3A_102 : vector<1024x32xf32>
      %mul3A_111 = arith.mulf %sub3A_110, %tanh3A_107 : vector<1024x32xf32>
      %mul3A_112 = arith.mulf %logistic3A_102, %select_n3A_71 : vector<1024x32xf32>
      %add3A_113 = arith.addf %mul3A_111, %mul3A_112 : vector<1024x32xf32>
      %gt3A_114 = vector.broadcast %add3A_75 : i32 to vector<1024x1xi32>
      %gt3A_115 = arith.cmpi sgt, %get3A_13, %gt3A_114 : vector<1024x1xi32>
      %jit3A_116 = arith.constant 0.000000e+00 : f32
      %broadcast_in_dim3A_117 = vector.shape_cast %gt3A_115 : vector<1024x1xi1> to vector<1024x1xi1>
      %broadcast_in_dim3A_118 = vector.broadcast %broadcast_in_dim3A_117 : vector<1024x1xi1> to vector<1024x32xi1>
      %broadcast_in_dim3A_119 = vector.broadcast %jit3A_116 : f32 to vector<1024x32xf32>
      %select_n3A_120 = arith.select %broadcast_in_dim3A_118, %add3A_113, %broadcast_in_dim3A_119 : vector<1024x32xi1>, vector<1024x32xf32>
      %broadcast_in_dim3A_121 = vector.shape_cast %gt3A_115 : vector<1024x1xi1> to vector<1024x1xi1>
      %broadcast_in_dim3A_122 = vector.broadcast %broadcast_in_dim3A_121 : vector<1024x1xi1> to vector<1024x32xi1>
      %select_n3A_123 = arith.select %broadcast_in_dim3A_122, %add3A_113, %select_n3A_71 : vector<1024x32xi1>, vector<1024x32xf32>
      %mul3A_124 = arith.constant 4 : i32
      %mul3A_125 = arith.muli %mul3A_124, %scan3A_24 : i32
      %add3A_126 = arith.constant 2 : i32
      %add3A_127 = arith.addi %mul3A_125, %add3A_126 : i32
      %slice3A_128 = vector.extract_strided_slice %get3A_30 {offsets = [0, 64], sizes = [1024, 32], strides = [1, 1]} : vector<1024x128xf32> to vector<1024x32xf32>
      %dot_general3A_129 = arith.constant dense<0.000000e+00> : vector<1024x96xf32>
      %dot_general3A_130 = tpu.matmul %slice3A_128, %get3A_1, %dot_general3A_129 {dimension_numbers = #tpu.dot_dimension_numbers<[1], [0], [0], [1], [0, 0, 1, 1], [], []>, transpose_lhs_hint = false} : vector<1024x32xf32>, vector<32x96xf32>, vector<1024x96xf32> -> vector<1024x96xf32>
      %add3A_131 = vector.broadcast %get3A_7 : vector<1x96xf32> to vector<1024x96xf32>
      %add3A_132 = arith.addf %dot_general3A_130, %add3A_131 : vector<1024x96xf32>
      %dot_general3A_133 = arith.constant dense<0.000000e+00> : vector<1024x96xf32>
      %dot_general3A_134 = tpu.matmul %select_n3A_123, %get3A_4, %dot_general3A_133 {dimension_numbers = #tpu.dot_dimension_numbers<[1], [0], [0], [1], [0, 0, 1, 1], [], []>, transpose_lhs_hint = false} : vector<1024x32xf32>, vector<32x96xf32>, vector<1024x96xf32> -> vector<1024x96xf32>
      %add3A_135 = vector.broadcast %get3A_10 : vector<1x96xf32> to vector<1024x96xf32>
      %add3A_136 = arith.addf %dot_general3A_134, %add3A_135 : vector<1024x96xf32>
      %slice3A_137 = vector.extract_strided_slice %add3A_132 {offsets = [0, 0], sizes = [1024, 32], strides = [1, 1]} : vector<1024x96xf32> to vector<1024x32xf32>
      %slice3A_138 = vector.extract_strided_slice %add3A_136 {offsets = [0, 0], sizes = [1024, 32], strides = [1, 1]} : vector<1024x96xf32> to vector<1024x32xf32>
      %add3A_139 = arith.addf %slice3A_137, %slice3A_138 : vector<1024x32xf32>
      %logistic3A_140 = arith.negf %add3A_139 : vector<1024x32xf32>
      %logistic3A_141 = math.exp %logistic3A_140 : vector<1024x32xf32>
      %logistic3A_142 = arith.constant 1.000000e+00 : f32
      %logistic3A_143 = vector.broadcast %logistic3A_142 : f32 to vector<1024x32xf32>
      %logistic3A_144 = arith.addf %logistic3A_143, %logistic3A_141 : vector<1024x32xf32>
      %logistic3A_145 = arith.divf %logistic3A_143, %logistic3A_144 : vector<1024x32xf32>
      %slice3A_146 = vector.extract_strided_slice %add3A_132 {offsets = [0, 32], sizes = [1024, 32], strides = [1, 1]} : vector<1024x96xf32> to vector<1024x32xf32>
      %slice3A_147 = vector.extract_strided_slice %add3A_136 {offsets = [0, 32], sizes = [1024, 32], strides = [1, 1]} : vector<1024x96xf32> to vector<1024x32xf32>
      %add3A_148 = arith.addf %slice3A_146, %slice3A_147 : vector<1024x32xf32>
      %logistic3A_149 = arith.negf %add3A_148 : vector<1024x32xf32>
      %logistic3A_150 = math.exp %logistic3A_149 : vector<1024x32xf32>
      %logistic3A_151 = arith.constant 1.000000e+00 : f32
      %logistic3A_152 = vector.broadcast %logistic3A_151 : f32 to vector<1024x32xf32>
      %logistic3A_153 = arith.addf %logistic3A_152, %logistic3A_150 : vector<1024x32xf32>
      %logistic3A_154 = arith.divf %logistic3A_152, %logistic3A_153 : vector<1024x32xf32>
      %slice3A_155 = vector.extract_strided_slice %add3A_132 {offsets = [0, 64], sizes = [1024, 32], strides = [1, 1]} : vector<1024x96xf32> to vector<1024x32xf32>
      %slice3A_156 = vector.extract_strided_slice %add3A_136 {offsets = [0, 64], sizes = [1024, 32], strides = [1, 1]} : vector<1024x96xf32> to vector<1024x32xf32>
      %mul3A_157 = arith.mulf %logistic3A_145, %slice3A_156 : vector<1024x32xf32>
      %add3A_158 = arith.addf %slice3A_155, %mul3A_157 : vector<1024x32xf32>
      %tanh3A_159 = math.tanh %add3A_158 : vector<1024x32xf32>
      %sub3A_160 = arith.constant 1.000000e+00 : f32
      %sub3A_161 = vector.broadcast %sub3A_160 : f32 to vector<1024x32xf32>
      %sub3A_162 = arith.subf %sub3A_161, %logistic3A_154 : vector<1024x32xf32>
      %mul3A_163 = arith.mulf %sub3A_162, %tanh3A_159 : vector<1024x32xf32>
      %mul3A_164 = arith.mulf %logistic3A_154, %select_n3A_123 : vector<1024x32xf32>
      %add3A_165 = arith.addf %mul3A_163, %mul3A_164 : vector<1024x32xf32>
      %gt3A_166 = vector.broadcast %add3A_127 : i32 to vector<1024x1xi32>
      %gt3A_167 = arith.cmpi sgt, %get3A_13, %gt3A_166 : vector<1024x1xi32>
      %jit3A_168 = arith.constant 0.000000e+00 : f32
      %broadcast_in_dim3A_169 = vector.shape_cast %gt3A_167 : vector<1024x1xi1> to vector<1024x1xi1>
      %broadcast_in_dim3A_170 = vector.broadcast %broadcast_in_dim3A_169 : vector<1024x1xi1> to vector<1024x32xi1>
      %broadcast_in_dim3A_171 = vector.broadcast %jit3A_168 : f32 to vector<1024x32xf32>
      %select_n3A_172 = arith.select %broadcast_in_dim3A_170, %add3A_165, %broadcast_in_dim3A_171 : vector<1024x32xi1>, vector<1024x32xf32>
      %broadcast_in_dim3A_173 = vector.shape_cast %gt3A_167 : vector<1024x1xi1> to vector<1024x1xi1>
      %broadcast_in_dim3A_174 = vector.broadcast %broadcast_in_dim3A_173 : vector<1024x1xi1> to vector<1024x32xi1>
      %select_n3A_175 = arith.select %broadcast_in_dim3A_174, %add3A_165, %select_n3A_123 : vector<1024x32xi1>, vector<1024x32xf32>
      %mul3A_176 = arith.constant 4 : i32
      %mul3A_177 = arith.muli %mul3A_176, %scan3A_24 : i32
      %add3A_178 = arith.constant 3 : i32
      %add3A_179 = arith.addi %mul3A_177, %add3A_178 : i32
      %slice3A_180 = vector.extract_strided_slice %get3A_30 {offsets = [0, 96], sizes = [1024, 32], strides = [1, 1]} : vector<1024x128xf32> to vector<1024x32xf32>
      %dot_general3A_181 = arith.constant dense<0.000000e+00> : vector<1024x96xf32>
      %dot_general3A_182 = tpu.matmul %slice3A_180, %get3A_1, %dot_general3A_181 {dimension_numbers = #tpu.dot_dimension_numbers<[1], [0], [0], [1], [0, 0, 1, 1], [], []>, transpose_lhs_hint = false} : vector<1024x32xf32>, vector<32x96xf32>, vector<1024x96xf32> -> vector<1024x96xf32>
      %add3A_183 = vector.broadcast %get3A_7 : vector<1x96xf32> to vector<1024x96xf32>
      %add3A_184 = arith.addf %dot_general3A_182, %add3A_183 : vector<1024x96xf32>
      %dot_general3A_185 = arith.constant dense<0.000000e+00> : vector<1024x96xf32>
      %dot_general3A_186 = tpu.matmul %select_n3A_175, %get3A_4, %dot_general3A_185 {dimension_numbers = #tpu.dot_dimension_numbers<[1], [0], [0], [1], [0, 0, 1, 1], [], []>, transpose_lhs_hint = false} : vector<1024x32xf32>, vector<32x96xf32>, vector<1024x96xf32> -> vector<1024x96xf32>
      %add3A_187 = vector.broadcast %get3A_10 : vector<1x96xf32> to vector<1024x96xf32>
      %add3A_188 = arith.addf %dot_general3A_186, %add3A_187 : vector<1024x96xf32>
      %slice3A_189 = vector.extract_strided_slice %add3A_184 {offsets = [0, 0], sizes = [1024, 32], strides = [1, 1]} : vector<1024x96xf32> to vector<1024x32xf32>
      %slice3A_190 = vector.extract_strided_slice %add3A_188 {offsets = [0, 0], sizes = [1024, 32], strides = [1, 1]} : vector<1024x96xf32> to vector<1024x32xf32>
      %add3A_191 = arith.addf %slice3A_189, %slice3A_190 : vector<1024x32xf32>
      %logistic3A_192 = arith.negf %add3A_191 : vector<1024x32xf32>
      %logistic3A_193 = math.exp %logistic3A_192 : vector<1024x32xf32>
      %logistic3A_194 = arith.constant 1.000000e+00 : f32
      %logistic3A_195 = vector.broadcast %logistic3A_194 : f32 to vector<1024x32xf32>
      %logistic3A_196 = arith.addf %logistic3A_195, %logistic3A_193 : vector<1024x32xf32>
      %logistic3A_197 = arith.divf %logistic3A_195, %logistic3A_196 : vector<1024x32xf32>
      %slice3A_198 = vector.extract_strided_slice %add3A_184 {offsets = [0, 32], sizes = [1024, 32], strides = [1, 1]} : vector<1024x96xf32> to vector<1024x32xf32>
      %slice3A_199 = vector.extract_strided_slice %add3A_188 {offsets = [0, 32], sizes = [1024, 32], strides = [1, 1]} : vector<1024x96xf32> to vector<1024x32xf32>
      %add3A_200 = arith.addf %slice3A_198, %slice3A_199 : vector<1024x32xf32>
      %logistic3A_201 = arith.negf %add3A_200 : vector<1024x32xf32>
      %logistic3A_202 = math.exp %logistic3A_201 : vector<1024x32xf32>
      %logistic3A_203 = arith.constant 1.000000e+00 : f32
      %logistic3A_204 = vector.broadcast %logistic3A_203 : f32 to vector<1024x32xf32>
      %logistic3A_205 = arith.addf %logistic3A_204, %logistic3A_202 : vector<1024x32xf32>
      %logistic3A_206 = arith.divf %logistic3A_204, %logistic3A_205 : vector<1024x32xf32>
      %slice3A_207 = vector.extract_strided_slice %add3A_184 {offsets = [0, 64], sizes = [1024, 32], strides = [1, 1]} : vector<1024x96xf32> to vector<1024x32xf32>
      %slice3A_208 = vector.extract_strided_slice %add3A_188 {offsets = [0, 64], sizes = [1024, 32], strides = [1, 1]} : vector<1024x96xf32> to vector<1024x32xf32>
      %mul3A_209 = arith.mulf %logistic3A_197, %slice3A_208 : vector<1024x32xf32>
      %add3A_210 = arith.addf %slice3A_207, %mul3A_209 : vector<1024x32xf32>
      %tanh3A_211 = math.tanh %add3A_210 : vector<1024x32xf32>
      %sub3A_212 = arith.constant 1.000000e+00 : f32
      %sub3A_213 = vector.broadcast %sub3A_212 : f32 to vector<1024x32xf32>
      %sub3A_214 = arith.subf %sub3A_213, %logistic3A_206 : vector<1024x32xf32>
      %mul3A_215 = arith.mulf %sub3A_214, %tanh3A_211 : vector<1024x32xf32>
      %mul3A_216 = arith.mulf %logistic3A_206, %select_n3A_175 : vector<1024x32xf32>
      %add3A_217 = arith.addf %mul3A_215, %mul3A_216 : vector<1024x32xf32>
      %gt3A_218 = vector.broadcast %add3A_179 : i32 to vector<1024x1xi32>
      %gt3A_219 = arith.cmpi sgt, %get3A_13, %gt3A_218 : vector<1024x1xi32>
      %jit3A_220 = arith.constant 0.000000e+00 : f32
      %broadcast_in_dim3A_221 = vector.shape_cast %gt3A_219 : vector<1024x1xi1> to vector<1024x1xi1>
      %broadcast_in_dim3A_222 = vector.broadcast %broadcast_in_dim3A_221 : vector<1024x1xi1> to vector<1024x32xi1>
      %broadcast_in_dim3A_223 = vector.broadcast %jit3A_220 : f32 to vector<1024x32xf32>
      %select_n3A_224 = arith.select %broadcast_in_dim3A_222, %add3A_217, %broadcast_in_dim3A_223 : vector<1024x32xi1>, vector<1024x32xf32>
      %broadcast_in_dim3A_225 = vector.shape_cast %gt3A_219 : vector<1024x1xi1> to vector<1024x1xi1>
      %broadcast_in_dim3A_226 = vector.broadcast %broadcast_in_dim3A_225 : vector<1024x1xi1> to vector<1024x32xi1>
      %select_n3A_227 = arith.select %broadcast_in_dim3A_226, %add3A_217, %select_n3A_175 : vector<1024x32xi1>, vector<1024x32xf32>
      %concatenate3A = tpu.concatenate %select_n3A, %select_n3A_120, %select_n3A_172, %select_n3A_224 in 1 : vector<1024x32xf32>, vector<1024x32xf32>, vector<1024x32xf32>, vector<1024x32xf32> -> vector<1024x128xf32>
      %swap3A_228 = arith.constant 0 : index
      %swap3A_229 = arith.index_cast %scan3A_24 : i32 to index
      %swap3A_230 = arith.constant 0 : index
      %swap3A_231 = vector.load %arg7[%swap3A_228, %swap3A_229, %swap3A_230] : memref<1024x13x128xf32, #tpu.memory_space<vmem>>, vector<1024x1x128xf32>
      %swap3A_232 = vector.shape_cast %swap3A_231 : vector<1024x1x128xf32> to vector<1024x128xf32>
      %swap3A_233 = vector.shape_cast %concatenate3A : vector<1024x128xf32> to vector<1024x1x128xf32>
      tpu.vector_store %arg7[%swap3A_228, %swap3A_229, %swap3A_230], %swap3A_233 {strides = array<i32>} : memref<1024x13x128xf32, #tpu.memory_space<vmem>>, vector<1024x1x128xf32>,
      scf.yield %select_n3A_227 : vector<1024x32xf32>
    }
    %scan3A_21 = arith.constant 13 : i32
    %swap3A = arith.constant 0 : index
    %swap3A_22 = arith.constant 0 : index
    %swap3A_23 = vector.load %arg8[%swap3A, %swap3A_22] : memref<1024x32xf32, #tpu.memory_space<vmem>>, vector<1024x32xf32>
    tpu.vector_store %arg8[%swap3A, %swap3A_22], %scan3A_20 {strides = array<i32>} : memref<1024x32xf32, #tpu.memory_space<vmem>>, vector<1024x32xf32>,
    return
  }
}

</mosaic_0001>

<sc_bundles>
// kernel: kernel.5.cloned.1.call-start
scs
__scs_entry_jumppad:
0x0: {  	(pc) =	sbr.rel $0x88, $3  }
0x1: {  	(tag) =	ssettag $0x0;
	lr =	simm.s32 $0x1  }
0x2: {  	[smem:$0x3F99] =	sst lr;
	_ =	strace $0xD0000000  }
0x3: {  	_ = 	snop  }
0x4: {  	_ = 	snop  }
0x5: {  	_ = 	snop  }
0x6: {  	_ = 	snop  }
0x7: {  	_ = 	snop  }
__scs_overlays_trampoline_lowered:
0x8: {  	[smem:$0x3FA8] =	sst s0  }
0x9: {  	[smem:$0x3FA9] =	sst s1  }
0xa: {  	[smem:$0x3FAA] =	sst s2  }
0xb: {  	[smem:$0x3FAB] =	sst s3  }
0xc: {  	[smem:$0x3FAC] =	sst s4  }
0xd: {  	[smem:$0x3FAD] =	sst s5  }
0xe: {  	[smem:$0x3FAE] =	sst s6  }
0xf: {  	[smem:$0x3FAF] =	sst s7  }
0x10: {  	[smem:$0x3FB0] =	sst s8  }
0x11: {  	[smem:$0x3FB1] =	sst s9;
	s0 =	simm.s32 @!p0 $0x0  }
0x12: {  	s1 =	sld [smem:$0x3F97];
	s0 =	simm.s32 @p0 $0x1  }
0x13: {  	[smem:$0x3FB2] =	sst s0;
	s0 =	simm.s32 @!p1 $0x0  }
0x14: {  	s2 =	sld [smem:$0x3F96];
	s0 =	simm.s32 @p1 $0x1  }
0x15: {  	[smem:$0x3FB3] =	sst s0;
	s0 =	simm.s32 @!p2 $0x0  }
0x16: {  	s3 =	sld [smem:$0x3FDB];
	s0 =	simm.s32 @p2 $0x1  }
0x17: {  	s4 =	simm.s32 $0x1BF5;
	[smem:$0x3FB5] =	sst s0  }
0x18: {  	s0 =	sld [smem:$0x3F98];
	_ =	swait.ge [sflag:s4], $0x0  }
0x19: {  	s7 =	sld [smem:$0x3F99]  }
0x1a: {  	s8 =	sadd.s32 $0xFFFFE003, lr  }
0x1b: {  	s9 =	sadd.s32 $0xFFFFFEF7, lr;
	s5 =	simm.s32 $0xFFFFFFFF;
	p2 =	slt.u32 s8, $0xFFFFF086  }
0x1c: {  	p1 =	slt.u32 s9, $0xF7A;
	s5 =	simm.s32 @!p2 $0x0  }
0x1d: {  	s5 =	simm.s32 @p1 $0x1;
	p0 =	seq.s32 s7, s2  }
0x1e: {  	s7 =	smul.u32 @!p0 $0xF7A, s2;
	p2 =	seq.s32 @!p0 s5, $0x0  }
0x1f: {  	s9 =	smul.u32 $0xF7A, s1;
	s8 =	simm.s32 @!p0 $0x1BF5;
	p2 =	por !p2, p0  }
0x20: {  	[sflag:s8] =	ssyncset.s32 @!p0 $0xFFFFF086;
	s6 =	sadd.s32 @!p0 s3, s7;
	s7 =	simm.s32 @!p0 $0x108  }
0x21: {  	s3 =	sadd.s32 s3, s9;
	s6 =	sadd.s32 @!p0 $0x88, s6;
	s7 =	simm.s32 @p2 $0x1082  }
0x22: {  	[simem:s7], [sflag:s8] =	dma.local @!p0 [hbm:s6], $0xF7A  }
0x23: {  	s9 =	sor.u32 $0xD0000000, s2;
	s6 =	simm.s32 $0x108;
	_ =	swait.ge @!p0 [sflag:s8], $0x0  }
0x24: {  	s3 =	sadd.s32 $0x88, s3;
	s6 =	simm.s32 @!p1 $0x1082;
	[sflag:s4] =	ssyncset.s32 $0xFFFFF086  }
0x25: {  	[simem:s6], [sflag:s4] =	dma.local [hbm:s3], $0xF7A  }
0x26: {  	[smem:$0x3F99] =	sst s1;
	(tag) =	ssettag s2;
	_ =	strace s9  }
0x27: {  	s1 =	sld [smem:$0x3FA9]  }
0x28: {  	s2 =	sld [smem:$0x3FAA]  }
0x29: {  	s4 =	sld [smem:$0x3FAC]  }
0x2a: {  	p0 =	seq.s32 s5, $0x0;
	s5 =	sld [smem:$0x3FAD]  }
0x2b: {  	s6 =	sld [smem:$0x3FAE]  }
0x2c: {  	s7 =	sld [smem:$0x3FAF]  }
0x2d: {  	s3 =	simm.s32 $0x108;
	s8 =	sld [smem:$0x3FB0]  }
0x2e: {  	s3 =	simm.s32 @!p0 $0x1082;
	s9 =	sld [smem:$0x3FB1]  }
0x2f: {  	lr =	sadd.s32 s0, s3;
	s0 =	sld [smem:$0x3FA8]  }
0x30: {  	s3 =	sld [smem:$0x3FAB]  }
0x31: {  	[smem:$0x3FB4] =	sst s10  }
0x32: {  	s10 =	sld [smem:$0x3FB2];
	_ =	sdelay $0x3  }
0x33: {  	p0 =	seq.s32 s10, $0x1;
	s10 =	sld [smem:$0x3FB4];
	_ =	sdelay $0x3  }
0x34: {  	[smem:$0x3FB4] =	sst s10  }
0x35: {  	s10 =	sld [smem:$0x3FB3];
	_ =	sdelay $0x3  }
0x36: {  	p1 =	seq.s32 s10, $0x1;
	s10 =	sld [smem:$0x3FB4];
	_ =	sdelay $0x3  }
0x37: {  	[smem:$0x3FB4] =	sst s10  }
0x38: {  	s10 =	sld [smem:$0x3FB5]  }
0x39: {  	_ = 	snop;
	(pc) =	sbr.ind lr, $3  }
0x3a: {  	_ = 	snop  }
0x3b: {  	_ = 	snop  }
0x3c: {  	p2 =	seq.s32 s10, $0x1;
	s10 =	sld [smem:$0x3FB4]  }
0x3d: {  	_ =	shalt  }
0x3e: {  	_ =	shalt  }
0x3f: {  	_ =	shalt  }
0x40: {  	_ =	shalt  }
0x41: {  	_ =	shalt  }
0x42: {  	_ =	shalt  }
0x43: {  	_ =	shalt  }
0x44: {  	_ =	shalt  }
0x45: {  	_ =	shalt  }
0x46: {  	_ =	shalt  }
0x47: {  	_ =	shalt  }
0x48: {  	_ =	shalt  }
0x49: {  	_ =	shalt  }
0x4a: {  	_ =	shalt  }
0x4b: {  	_ =	shalt  }
0x4c: {  	_ =	shalt  }
0x4d: {  	_ =	shalt  }
0x4e: {  	_ =	shalt  }
0x4f: {  	_ =	shalt  }
0x50: {  	_ =	shalt  }
0x51: {  	_ =	shalt  }
0x52: {  	_ =	shalt  }
0x53: {  	_ =	shalt  }
0x54: {  	_ =	shalt  }
0x55: {  	_ =	shalt  }
0x56: {  	_ =	shalt  }
0x57: {  	_ =	shalt  }
0x58: {  	_ =	shalt  }
0x59: {  	_ =	shalt  }
0x5a: {  	_ =	shalt  }
0x5b: {  	_ =	shalt  }
0x5c: {  	_ =	shalt  }
0x5d: {  	_ =	shalt  }
0x5e: {  	_ =	shalt  }
0x5f: {  	_ =	shalt  }
0x60: {  	_ =	shalt  }
0x61: {  	_ =	shalt  }
0x62: {  	_ =	shalt  }
0x63: {  	_ =	shalt  }
0x64: {  	_ =	shalt  }
0x65: {  	_ =	shalt  }
0x66: {  	_ =	shalt  }
0x67: {  	_ =	shalt  }
0x68: {  	_ =	shalt  }
0x69: {  	_ =	shalt  }
0x6a: {  	_ =	shalt  }
0x6b: {  	_ =	shalt  }
0x6c: {  	_ =	shalt  }
0x6d: {  	_ =	shalt  }
0x6e: {  	_ =	shalt  }
0x6f: {  	_ =	shalt  }
0x70: {  	_ =	shalt  }
0x71: {  	_ =	shalt  }
0x72: {  	_ =	shalt  }
0x73: {  	_ =	shalt  }
0x74: {  	_ =	shalt  }
0x75: {  	_ =	shalt  }
0x76: {  	_ =	shalt  }
0x77: {  	_ =	shalt  }
0x78: {  	_ =	shalt  }
0x79: {  	_ =	shalt  }
0x7a: {  	_ =	shalt  }
0x7b: {  	_ =	shalt  }
0x7c: {  	_ =	shalt  }
0x7d: {  	_ =	shalt  }
0x7e: {  	_ =	shalt  }
0x7f: {  	_ =	shalt  }
0x80: {  	_ =	shalt  }
0x81: {  	_ =	shalt  }
0x82: {  	_ =	shalt  }
0x83: {  	_ =	shalt  }
0x84: {  	_ =	shalt  }
0x85: {  	_ =	shalt  }
0x86: {  	_ =	shalt  }
0x87: {  	_ =	shalt  }
.Lfunc_end0:
.L_simem_size_0:
called_computation_lowered:
.L_overlay_start_0:
0x88: {  	s2 =	sld [smem:$0x3FD9]  }
0x89: {  	s3 =	sld [smem:$0x3FFE];
	_ =	sdelay $0x1  }
0x8a: {  	s1 =	srdreg.scid  }
0x8b: {  	s0 =	sand.u32 $0x1, s1  }
0x8c: {  	s14 =	sshll.u32 s0, $0xA;
	s2 =	sadd.s32 s3, s2  }
0x8d: {  	s2 =	sadd.s32 s2, s14  }
0x8e: {  	[smem:$0x3FC0] =	sst s2  }
0x8f: {  	_ = 	snop  }
0x90: {  	s2 =	sld [smem:$0x3FD0];
	_ =	sdelay $0x2  }
0x91: {  	s4 =	simm.s32 $0xA;
	s5 =	simm.s32 $0x10;
	s15 =	sld [smem:$0x3FC8]  }
0x92: {  	[smem:s5], [sflag:s4] =	dma.local [hbm:s2], $0x1  }
0x93: {  	_ =	swait.eq [sflag:s4], $0x1  }
0x94: {  	[sflag:s4] =	ssyncset.done $0x0  }
0x95: {  	[sflag:s4] =	ssyncadd.s32 $0xFFFFFFFF  }
0x96: {  	s16 =	sld [smem:$0x10];
	(tm) =	ssettm $0x1  }
0x97: {  	s17 =	sld [smem:$0x3FFB];
	_ =	sdelay $0x3  }
0x98: {  	_ =	strace s17  }
0x99: {  	s4 =	sld [smem:$0x3FFC];
	_ =	sdelay $0x3  }
0x9a: {  	_ =	strace s4  }
0x9b: {  	s4 =	sld [smem:$0x3FFD];
	_ =	sdelay $0x3  }
0x9c: {  	_ =	strace s4  }
0x9d: {  	_ =	strace $0x8FFFFFFF  }
0x9e: {  	s18 =	sld [smem:$0x3FDB];
	_ =	sdelay $0x1  }
0x9f: {  	s19 =	simm.s32 $_scs_section_size  }
0xa0: {  	s6 =	simm.s32 $_size__tile_overlayer_lowered;
	s7 =	simm.s32 $_tile_overlayer_lowered  }
0xa1: {  	s22 =	simm.s32 $0x1BFF;
	s21 =	sshll.u32 s7, $0x1;
	s4 =	sadd.s32 s19, s18  }
0xa2: {  	s8 =	simm.s32 $0x0;
	s20 =	sshll.u32 s6, $0x1;
	s6 =	sadd.s32 s21, s4  }
0xa3: {  	[timem:s8], [sflag:s22] =	dma.local [hbm:s6], s20  }
0xa4: {  	_ =	swait.ge [sflag:s22], s20  }
0xa5: {  	s5 =	ssub.s32 $0x0, s20;
	[sflag:s22] =	ssyncset.done $0x0  }
0xa6: {  	[sflag:s22] =	ssyncadd.s32 s5;
	_ =	sdelay $0x1  }
0xa7: {  	s23 =	simm.s32 $0x1B8B  }
0xa8: {  	_ =	swait.ge [sflag:s23], $0x1  }
0xa9: {  	[sflag:s23] =	ssyncset.done $0x0  }
0xaa: {  	s25 =	simm.s32 $0x1B8E;
	s24 =	sld [smem:$0x3FFE];
	[sflag:s23] =	ssyncadd.s32 $0xFFFFFFFF  }
0xab: {  	s26 =	simm.s32 $execute0_lowered;
	[smem:$0x3FD2] =	sst s25  }
0xac: {  	s6 =	sshll.u32 s26, $0x1;
	_ =	strace $0x80000046;
	[dreg:$0x1] =	wrdreg $0xFFFFFFFF  }
0xad: {  	s28 =	simm.s32 $_size_execute0_lowered;
	s4 =	sadd.s32 s4, s6;
	[dreg:$0x0] =	wrdreg $0x0  }
0xae: {  	s6 =	sshll.u32 s28, $0x1;
	[dreg:$0x2] =	wrdreg s4  }
0xaf: {  	[dreg:$0x3] =	wrdreg s6  }
0xb0: {  	[dreg:$0x4] =	wrdreg $0xC0  }
0xb1: {  	_ =	task [dreg:s8], $0x5FFFF  }
0xb2: {  	[dreg:$0x1] =	wrdreg $0xFFFFFFFF  }
0xb3: {  	[dreg:$0x0] =	wrdreg $0x60  }
0xb4: {  	[dreg:$0x2] =	wrdreg s16  }
0xb5: {  	[dreg:$0x3] =	wrdreg s15  }
0xb6: {  	[dreg:$0x4] =	wrdreg s24  }
0xb7: {  	[dreg:$0x5] =	wrdreg $0x9  }
0xb8: {  	_ =	task.clear_ibuf [dreg:s8], $0x6FFFF;
	_ =	strace $0x90000046  }
0xb9: {  	s29 =	simm.s32 $0x9;
	_ =	strace $0x80000048  }
0xba: {  	_ =	swait.ge [sflag:s29], $0x1  }
0xbb: {  	[sflag:s29] =	ssyncadd.s32 $0xFFFFFFFF  }
0xbc: {  	_ =	strace $0x90000048  }
0xbd: {  	_ =	sfence  }
0xbe: {  	s30 =	sld [smem:$0x0];
	_ =	sdelay $0x2  }
0xbf: {  	s31 =	sshll.u32 s1, $0xD;
	s1 =	sshrl.u32 s1, $0x2  }
0xc0: {  	s3 =	sand.u32 $0x4000, s31;
	s1 =	sadd.s32 s1, s30  }
0xc1: {  	s0 =	sor.u32 s3, s0;
	s1 =	sshll.u32 s1, $0x11  }
0xc2: {  	s0 =	sor.u32 s1, s0  }
0xc3: {  	s0 =	sadd.s32 $0x8F2B, s0  }
0xc4: {  	[sflag:s0] =	ssyncadd.remote.s32 $0x1  }
0xc5: {  	_ =	sfence.sel $0xFFFF  }
0xc6: {  	[dreg:$0x0] =	wrdreg $0xFFFFFFFF;
	(pc) =	sbr.abs _section_cstart, $3  }
0xc7: {  	[dreg:$0x1] =	wrdreg $0xFFFFFFFF  }
0xc8: {  	_ =	task.clear_ibuf [dreg:s8], $0x2FFFF;
	_ =	strace $0x9FFFFFFF  }
0xc9: {  	(tm) =	ssettm $0x7FFFFFFF  }
tec
execute0_lowered:
.L_overlay_start_1:
0x0: {  	(tag) =	ssettag $0x1  }
0x1: {  	s1 =	rddreg [dreg:$0x0]  }
0x2: {  	s2 =	rddreg [dreg:$0x1]  }
0x3: {  	s6 =	rddreg [dreg:$0x2]  }
0x4: {  	s0 =	rddreg [dreg:$0x3];
	s3 =	simm.s32 $0x0;
	s4 =	srdreg.scid  }
0x5: {  	s13 =	simm.s32 $0x80;
	s14 =	simm.s32 $0x1;
	s15 =	simm.s32 $0x10800  }
0x6: {  	[smem:$0x7FF] =	sst s3;
	s7 =	sand.u32 $0x1, s4;
	s4 =	stileid.u32  }
0x7: {  	s5 =	sadd.s32 $0xE00, s6;
	s6 =	sadd.s32 $0x3E0E00, s6;
	s8 =	ssub.s32 $0x2, s7  }
.Ltmp0:
0x8: {  	s10 =	sshll.u32 s4, $0x1;
	s9 =	sshrl.u32 s8, $0x1;
	(pc) =	sbr.rel .LBB2_1-.Ltmp0, $4  }
0x9: {  	_ =	strace $0x80000047;
	s7 =	sor.u32 s7, s10;
	s11 =	ssub.s32 s8, s9  }
0xa: {  	s12 =	sand.u32 $0xF, s7;
	s31 =	sshll.u32 s7, $0x7;
	s8 =	sand.u32 $0x10, s10  }
0xb: {  	v1 =	vlaneseq.u32;
	s9 =	sadd.s32 s1, s31;
	s16 =	sor.u32 $0x10E80, s8;
	s10 =	smax.u32 s11, $0x1;
	v0 =	vmov s12  }
0xc: {  	s11 =	simm.s32 $0x10E80;
	s12 =	simm.s32 $0x2;
	vm0 =	veq.s32 v0, v1;
	v1 =	vmov s16;
	s16 =	simm.s32 $0x0  }
.LBB2_17:
0xd: {  	s16 =	sadd.s32 $0x1, s16  }
0xe: {  	p0 =	sne.s32 s16, s10  }
.Ltmp1:
0xf: {  	_ = 	snop;
	(pc) =	sbr.rel @!p0 .LBB2_18-.Ltmp1, $1  }
0x10: {  	_ =	sdelay $0x3  }
.LBB2_1:
0x11: {  	[tilespmem:s11], [sflag:$0x2] =	stream.linear.gather [hbm4b:s2+s3], $0x400, $0x38;
	[tilespmem:$0x11280] =	vst v63  }
0x12: {  	_ =	swait.ge [sflag:s12], $0x400  }
0x13: {  	[sflag:s12] =	ssyncset.done $0x0  }
0x14: {  	[sflag:s12] =	ssyncadd.s32 $0xFFFFFC00  }
0x15: {  	[tilespmem:s3], [sflag:$0x2] =	stream.linear.gather [hbm4b:s9+s3], $0x400, $0x38;
	[tilespmem:$0x11280] =	vst v63  }
0x16: {  	_ =	swait.ge [sflag:s12], $0x400  }
0x17: {  	[sflag:s12] =	ssyncset.done $0x0  }
0x18: {  	[sflag:s12] =	ssyncadd.s32 $0xFFFFFC00  }
0x19: {  	v2 =	vld [tilespmem:s8+$0x10E80];
	_ =	sdelay $0x4  }
0x1a: {  	v2 =	vnsel vm0, $0x0, v2  }
0x1b: {  	(xrf0) =	vadd.scan.msk.s32 $0xffff, v2;
	_ =	sdelay $0x5  }
0x1c: {  	v2, _, _ =	vpop (xrf0)  }
0x1d: {  	(v2sf) =	vpush v2, $0xF;
	_ =	sdelay $0xe  }
0x1e: {  	s17 =	spop (v2sf)  }
0x1f: {  	s17 =	smul.u32 $0x14, s17;
	_ =	sdelay $0x1  }
0x20: {  	s17 =	sadd.s32 $0x7F, s17  }
0x21: {  	s18 =	sshra.s32 s17, $0x1F  }
0x22: {  	s19 =	sshrl.u32 s18, $0x19  }
0x23: {  	s17 =	sadd.s32 s19, s17  }
0x24: {  	s17 =	sshra.s32 s17, $0x7  }
0x25: {  	s18 =	sadd.s32 s18, s17  }
0x26: {  	p0 =	slt.s32 s18, $0x1  }
.Ltmp2:
0x27: {  	_ = 	snop;
	(pc) =	sbr.rel @p0 .LBB2_4-.Ltmp2, $2  }
0x28: {  	_ =	sdelay $0x2  }
0x29: {  	s17 =	simm.s32 $0x800  }
0x2a: {  	p0 =	sne.s32 s18, $0x1  }
.Ltmp3:
0x2b: {  	_ = 	snop;
	(pc) =	sbr.rel @!p0 .LBB2_4-.Ltmp3, $3  }
0x2c: {  	_ =	sdelay $0x1  }
0x2d: {  	[tilespmem:s17], [sflag:$0x1] =	stream.indirect.gather [hbm4b:s5+s13], $0x20, s3, s13, $0xb8;
	[tilespmem:$0x11280] =	vst v63  }
0x2e: {  	s18 =	sadd.s32 $0xFFFFFFFF, s18;
	s19 =	simm.s32 $0x0  }
.LBB2_3:
0x2f: {  	p0 =	sne.s32 s18, $0x1  }
.Ltmp4:
0x30: {  	_ = 	snop;
	(pc) =	sbr.rel @p0 .LBB2_3-.Ltmp4, $4  }
0x31: {  	_ = 	snop  }
0x32: {  	s19 =	sadd.s32 $0x80, s19;
	s17 =	sadd.s32 $0x1000, s17  }
0x33: {  	s18 =	sadd.s32 $0xFFFFFFFF, s18  }
0x34: {  	[tilespmem:s17], [sflag:$0x1] =	stream.indirect.gather [hbm4b:s5+s13], $0x20, s19, s13, $0xb8;
	[tilespmem:$0x11280] =	vst v63  }
.LBB2_4:
.Ltmp5:
0x35: {  	(pc) =	sbr.rel .LBB2_5-.Ltmp5, $2  }
0x36: {  	_ =	sdelay $0x2  }
0x37: {  	s19 =	simm.s32 $0x0;
	p0 =	por $0x1, $0x1;
	p1 =	por $0x0, $0x0  }
.LBB2_15:
0x38: {  	v2 =	vmax.f32 v4, v2  }
0x39: {  	v2 =	vmax.f32 v2, v3  }
0x3a: {  	[tilespmem:s20+$0x0] =	vst v2  }
.LBB2_16:
0x3b: {  	s17 =	sor.u32 s7, s17  }
0x3c: {  	s17 =	smul.u32 $0xD0, s17  }
0x3d: {  	p2 =	sne.s32 s18, $0x20  }
.Ltmp6:
0x3e: {  	s17 =	sadd.s32 s6, s17;
	(pc) =	sbr.rel @!p2 .LBB2_17-.Ltmp6, $4  }
0x3f: {  	[hbm4b:s17+s3] =	stream.linear.scatter [tilespmem:s15], [sflag:$0x2], $0x680, $0x38;
	[tilespmem:$0x11280] =	vst v63  }
0x40: {  	_ =	swait.ge [sflag:s12], $0x680  }
0x41: {  	p0 =	por !p0, !p0;
	[sflag:s12] =	ssyncset.done $0x0  }
0x42: {  	p1 =	por !p1, !p1;
	s19 =	smov.u32 s18;
	[sflag:s12] =	ssyncadd.s32 $0xFFFFF980  }
.LBB2_5:
0x43: {  	_ =	sdelay $0x2  }
0x44: {  	s17 =	sshll.u32 s19, $0x5  }
0x45: {  	v2 =	vld.idx.msk [tilespmem:v1+s17+$0x0 ss:$0x1], $0xffff;
	_ =	sdelay $0x4  }
0x46: {  	v2 =	vnsel vm0, $0x0, v2  }
0x47: {  	(xrf0) =	vadd.scan.msk.s32 $0xffff, v2;
	_ =	sdelay $0x5  }
0x48: {  	v2, _, _ =	vpop (xrf0)  }
0x49: {  	(v2sf) =	vpush v2, $0xF;
	_ =	sdelay $0xe  }
0x4a: {  	s21 =	spop (v2sf)  }
0x4b: {  	s18 =	smul.u32 $0x14, s21;
	_ =	sdelay $0x1  }
0x4c: {  	s18 =	sadd.s32 $0x7F, s18  }
0x4d: {  	s20 =	sshra.s32 s18, $0x1F  }
0x4e: {  	s22 =	sshrl.u32 s20, $0x19  }
0x4f: {  	s18 =	sadd.s32 s22, s18  }
0x50: {  	s18 =	sshra.s32 s18, $0x7  }
0x51: {  	s18 =	sadd.s32 s20, s18  }
0x52: {  	p2 =	slt.s32 s18, $0x1  }
.Ltmp7:
0x53: {  	_ = 	snop;
	(pc) =	sbr.rel @p2 .LBB2_9-.Ltmp7, $1  }
0x54: {  	_ =	sdelay $0x3  }
0x55: {  	p2 =	sne.s32 s18, $0x1  }
.Ltmp8:
0x56: {  	_ = 	snop;
	(pc) =	sbr.rel @!p2 .LBB2_8-.Ltmp8, $3  }
0x57: {  	_ =	sdelay $0x1  }
0x58: {  	_ =	swait.ge [sflag:s14], $0x1000  }
0x59: {  	s18 =	sadd.s32 $0xFFFFFFFF, s18;
	[sflag:s14] =	ssyncset.done $0x0  }
.LBB2_7:
0x5a: {  	p2 =	sne.s32 s18, $0x1;
	s18 =	sadd.s32 $0xFFFFFFFF, s18;
	[sflag:s14] =	ssyncadd.s32 $0xFFFFF000  }
.Ltmp9:
0x5b: {  	(pc) =	sbr.rel @p2 .LBB2_7-.Ltmp9, $3  }
0x5c: {  	_ =	sdelay $0x1  }
0x5d: {  	_ =	swait.ge [sflag:s14], $0x1000  }
0x5e: {  	[sflag:s14] =	ssyncset.done $0x0  }
.LBB2_8:
0x5f: {  	[sflag:s14] =	ssyncadd.s32 $0xFFFFF000  }
.LBB2_9:
0x60: {  	s18 =	sadd.s32 $0x1, s19;
	p2 =	seq.s32 s19, $0x1F  }
0x61: {  	s20 =	sshll.u32 @!p2 s18, $0x5  }
0x62: {  	s19 =	sand.u32 $0x1, s19;
	s22 =	sor.u32 @!p2 s7, s20  }
0x63: {  	s19 =	sxor.u32 @!p2 $0x1, s19;
	s22 =	sshll.u32 @!p2 s22, $0x7  }
0x64: {  	s23 =	simm.s32 @!p2 $0x0;
	s19 =	sshll.u32 @!p2 s19, $0xA;
	s22 =	sadd.s32 @!p2 s1, s22  }
0x65: {  	[tilespmem:s19], [sflag:$0x2] =	stream.linear.gather @!p2 [hbm4b:s22+s23], $0x400, $0x38;
	[tilespmem:$0x11280] =	vst v63  }
0x66: {  	s19 =	simm.s32 @!p2 $0x2  }
0x67: {  	_ =	swait.ge @!p2 [sflag:s19], $0x400  }
0x68: {  	[sflag:s19] =	ssyncset.done @!p2 $0x0  }
0x69: {  	[sflag:s19] =	ssyncadd.s32 @!p2 $0xFFFFFC00  }
0x6a: {  	v2 =	vld.idx.msk @!p2 [tilespmem:v1+s20+$0x0 ss:$0x1], $0xffff;
	_ =	sdelay $0x2  }
0x6b: {  	v3 =	vlaneseq.u32 @!p2  }
0x6c: {  	vm1 =	veq.s32 @!p2 v0, v3  }
0x6d: {  	v2 =	vnsel @!p2 vm1, $0x0, v2  }
0x6e: {  	(xrf0) =	vadd.scan.msk.s32 @!p2 $0xffff, v2;
	_ =	sdelay $0x5  }
0x6f: {  	v2, _, _ =	vpop @!p2 (xrf0)  }
0x70: {  	(v2sf) =	vpush @!p2 v2, $0xF;
	_ =	sdelay $0xe  }
0x71: {  	s19 =	spop @!p2 (v2sf)  }
0x72: {  	s19 =	smul.u32 @!p2 $0x14, s19;
	_ =	sdelay $0x1  }
0x73: {  	s19 =	sadd.s32 @!p2 $0x7F, s19  }
0x74: {  	s20 =	sshra.s32 @!p2 s19, $0x1F  }
0x75: {  	s22 =	sshrl.u32 @!p2 s20, $0x19  }
0x76: {  	s19 =	sadd.s32 @!p2 s22, s19  }
0x77: {  	s19 =	sshra.s32 @!p2 s19, $0x7  }
0x78: {  	s22 =	sadd.s32 @!p2 s20, s19  }
0x79: {  	p3 =	slt.s32 @!p2 s22, $0x1  }
0x7a: {  	p2 =	por p2, p3  }
.Ltmp10:
0x7b: {  	_ = 	snop;
	(pc) =	sbr.rel @p2 .LBB2_12-.Ltmp10, $1  }
0x7c: {  	_ =	sdelay $0x3  }
0x7d: {  	p2 =	sne.s32 s22, $0x1  }
.Ltmp11:
0x7e: {  	s19 =	simm.s32 $0x1;
	(pc) =	sbr.rel @!p2 .LBB2_12-.Ltmp11, $4  }
0x7f: {  	s19 =	simm.s32 @!p0 $0x0  }
0x80: {  	s20 =	sshll.u32 s19, $0xF  }
0x81: {  	s22 =	sadd.s32 $0xFFFFFFFF, s22;
	s19 =	sshll.u32 s19, $0xA;
	s20 =	sor.u32 $0x800, s20  }
0x82: {  	[tilespmem:s20], [sflag:$0x1] =	stream.indirect.gather [hbm4b:s5+s13], $0x20, s19, s13, $0xb8;
	[tilespmem:$0x11280] =	vst v63  }
.LBB2_11:
0x83: {  	p2 =	sne.s32 s22, $0x1  }
.Ltmp12:
0x84: {  	_ = 	snop;
	(pc) =	sbr.rel @p2 .LBB2_11-.Ltmp12, $4  }
0x85: {  	_ = 	snop  }
0x86: {  	s19 =	sadd.s32 $0x80, s19;
	s20 =	sadd.s32 $0x1000, s20  }
0x87: {  	s22 =	sadd.s32 $0xFFFFFFFF, s22  }
0x88: {  	[tilespmem:s20], [sflag:$0x1] =	stream.indirect.gather [hbm4b:s5+s13], $0x20, s19, s13, $0xb8;
	[tilespmem:$0x11280] =	vst v63  }
.LBB2_12:
0x89: {  	p2 =	slt.s32 s21, $0x1  }
.Ltmp13:
0x8a: {  	_ = 	snop;
	(pc) =	sbr.rel @p2 .LBB2_16-.Ltmp13, $1  }
0x8b: {  	_ =	sdelay $0x3  }
0x8c: {  	s19 =	simm.s32 $0x1  }
0x8d: {  	s19 =	simm.s32 @!p1 $0x0  }
0x8e: {  	s19 =	sshll.u32 s19, $0xF  }
0x8f: {  	s19 =	sor.u32 $0x940, s19  }
0x90: {  	v2 =	vld [tilespmem:s19+$0xFFFFFEC0]  }
0x91: {  	v3 =	vld [tilespmem:s19+$0xFFFFFEE0]  }
0x92: {  	v4 =	vld [tilespmem:s19+$0xFFFFFF00]  }
0x93: {  	v5 =	vld [tilespmem:s19+$0xFFFFFF20]  }
0x94: {  	v6 =	vld [tilespmem:s19+$0xFFFFFF40]  }
0x95: {  	v7 =	vld [tilespmem:s19+$0xFFFFFF60]  }
0x96: {  	v2 =	vmax.f32 v2, v3;
	v3 =	vld [tilespmem:s19+$0xFFFFFF80]  }
0x97: {  	v2 =	vmax.f32 v2, v4;
	v4 =	vld [tilespmem:s19+$0xFFFFFFA0]  }
0x98: {  	v2 =	vmax.f32 v2, v5;
	v5 =	vld [tilespmem:s19+$0xFFFFFFC0]  }
0x99: {  	v2 =	vmax.f32 v2, v6;
	v6 =	vld [tilespmem:s19+$0xFFFFFFE0]  }
0x9a: {  	v2 =	vmax.f32 v2, v7;
	v7 =	vld [tilespmem:s19+$0x0]  }
0x9b: {  	v2 =	vmax.f32 v2, v3;
	v3 =	vld [tilespmem:s19+$0x20]  }
0x9c: {  	v2 =	vmax.f32 v2, v4;
	v4 =	vld [tilespmem:s19+$0x40]  }
0x9d: {  	v2 =	vmax.f32 v2, v5;
	v5 =	vld [tilespmem:s19+$0x60]  }
0x9e: {  	v2 =	vmax.f32 v2, v6;
	v6 =	vld [tilespmem:s19+$0x80]  }
0x9f: {  	v2 =	vmax.f32 v2, v7;
	v7 =	vld [tilespmem:s19+$0xA0]  }
0xa0: {  	v2 =	vmax.f32 v2, v3;
	v3 =	vld [tilespmem:s19+$0xC0]  }
0xa1: {  	v2 =	vmax.f32 v2, v4;
	v4 =	vld [tilespmem:s19+$0xE0]  }
0xa2: {  	v2 =	vmax.f32 v2, v5;
	v5 =	vld [tilespmem:s19+$0x100]  }
0xa3: {  	v2 =	vmax.f32 v2, v6;
	v6 =	vld [tilespmem:s19+$0x120]  }
0xa4: {  	v2 =	vmax.f32 v2, v7  }
0xa5: {  	v2 =	vmax.f32 v2, v3  }
0xa6: {  	v2 =	vmax.f32 v2, v4  }
0xa7: {  	v2 =	vmax.f32 v2, v5  }
0xa8: {  	s20 =	simm.s32 $0x10810;
	v2 =	vmax.f32 v2, v6  }
0xa9: {  	[tilespmem:s20+$0xFFFFFFF0] =	vst v2  }
0xaa: {  	v2 =	vld [tilespmem:s19+$0xFFFFFED0]  }
0xab: {  	v3 =	vld [tilespmem:s19+$0xFFFFFEF0]  }
0xac: {  	v4 =	vld [tilespmem:s19+$0xFFFFFF10]  }
0xad: {  	v5 =	vld [tilespmem:s19+$0xFFFFFF30]  }
0xae: {  	v6 =	vld [tilespmem:s19+$0xFFFFFF50]  }
0xaf: {  	v7 =	vld [tilespmem:s19+$0xFFFFFF70]  }
0xb0: {  	v8 =	vld [tilespmem:s19+$0xFFFFFF90];
	v2 =	vmax.f32 v2, v3  }
0xb1: {  	v3 =	vld [tilespmem:s19+$0xFFFFFFB0];
	v2 =	vmax.f32 v2, v4  }
0xb2: {  	v4 =	vld [tilespmem:s19+$0xFFFFFFD0];
	v2 =	vmax.f32 v2, v5  }
0xb3: {  	v5 =	vld [tilespmem:s19+$0xFFFFFFF0];
	v2 =	vmax.f32 v2, v6  }
0xb4: {  	v6 =	vld [tilespmem:s19+$0x10];
	v2 =	vmax.f32 v2, v7  }
0xb5: {  	v7 =	vld [tilespmem:s19+$0x30];
	v2 =	vmax.f32 v2, v8  }
0xb6: {  	v63 =	vld [tilespmem:s19+$0x50];
	v2 =	vmax.f32 v2, v3  }
0xb7: {  	v3 =	vld [tilespmem:s19+$0x70];
	v2 =	vmax.f32 v2, v4  }
0xb8: {  	v4 =	vld [tilespmem:s19+$0x90];
	v2 =	vmax.f32 v2, v5  }
0xb9: {  	v5 =	vld [tilespmem:s19+$0xB0];
	v2 =	vmax.f32 v2, v6  }
0xba: {  	v6 =	vld [tilespmem:s19+$0xD0];
	v2 =	vmax.f32 v2, v7  }
0xbb: {  	v2 =	vmax.f32 v2, v63  }
0xbc: {  	v2 =	vmax.f32 v2, v3  }
0xbd: {  	p2 =	sne.s32 s21, $0x1;
	v7 =	vld [tilespmem:s19+$0xF0];
	v2 =	vmax.f32 v2, v4  }
.Ltmp14:
0xbe: {  	v3 =	vmax.f32 v2, v5;
	v2 =	vld [tilespmem:s19+$0x110];
	(pc) =	sbr.rel @!p2 .LBB2_15-.Ltmp14, $2  }
0xbf: {  	v4 =	vmax.f32 v3, v6;
	v3 =	vld [tilespmem:s19+$0x130];
	_ =	sdelay $0x2  }
0xc0: {  	s21 =	sadd.s32 $0xFFFFFFFF, s21;
	s22 =	simm.s32 $0x10810;
	v4 =	vmax.f32 v4, v7  }
.LBB2_14:
0xc1: {  	p2 =	sne.s32 s21, $0x1;
	v2 =	vmax.f32 v4, v2;
	s22 =	sadd.s32 $0x20, s22;
	s19 =	sadd.s32 $0x280, s19  }
0xc2: {  	s21 =	sadd.s32 $0xFFFFFFFF, s21;
	v2 =	vmax.f32 v2, v3  }
0xc3: {  	[tilespmem:s20+$0x0] =	vst v2;
	s20 =	smov.u32 s22  }
0xc4: {  	v2 =	vld [tilespmem:s19+$0xFFFFFEC0]  }
0xc5: {  	v3 =	vld [tilespmem:s19+$0xFFFFFEE0]  }
0xc6: {  	v4 =	vld [tilespmem:s19+$0xFFFFFF00]  }
0xc7: {  	v5 =	vld [tilespmem:s19+$0xFFFFFF20]  }
0xc8: {  	v6 =	vld [tilespmem:s19+$0xFFFFFF40]  }
0xc9: {  	v7 =	vld [tilespmem:s19+$0xFFFFFF60]  }
0xca: {  	v2 =	vmax.f32 v2, v3;
	v3 =	vld [tilespmem:s19+$0xFFFFFF80]  }
0xcb: {  	v2 =	vmax.f32 v2, v4;
	v4 =	vld [tilespmem:s19+$0xFFFFFFA0]  }
0xcc: {  	v2 =	vmax.f32 v2, v5;
	v5 =	vld [tilespmem:s19+$0xFFFFFFC0]  }
0xcd: {  	v2 =	vmax.f32 v2, v6;
	v6 =	vld [tilespmem:s19+$0xFFFFFFE0]  }
0xce: {  	v2 =	vmax.f32 v2, v7;
	v7 =	vld [tilespmem:s19+$0x0]  }
0xcf: {  	v2 =	vmax.f32 v2, v3;
	v3 =	vld [tilespmem:s19+$0x20]  }
0xd0: {  	v2 =	vmax.f32 v2, v4;
	v4 =	vld [tilespmem:s19+$0x40]  }
0xd1: {  	v2 =	vmax.f32 v2, v5;
	v5 =	vld [tilespmem:s19+$0x60]  }
0xd2: {  	v2 =	vmax.f32 v2, v6;
	v6 =	vld [tilespmem:s19+$0x80]  }
0xd3: {  	v2 =	vmax.f32 v2, v7;
	v7 =	vld [tilespmem:s19+$0xA0]  }
0xd4: {  	v2 =	vmax.f32 v2, v3;
	v3 =	vld [tilespmem:s19+$0xC0]  }
0xd5: {  	v2 =	vmax.f32 v2, v4;
	v4 =	vld [tilespmem:s19+$0xE0]  }
0xd6: {  	v2 =	vmax.f32 v2, v5;
	v5 =	vld [tilespmem:s19+$0x100]  }
0xd7: {  	v2 =	vmax.f32 v2, v6;
	v6 =	vld [tilespmem:s19+$0x120]  }
0xd8: {  	v2 =	vmax.f32 v2, v7  }
0xd9: {  	v2 =	vmax.f32 v2, v3  }
0xda: {  	v2 =	vmax.f32 v2, v4  }
0xdb: {  	v2 =	vmax.f32 v2, v5  }
0xdc: {  	v2 =	vmax.f32 v2, v6  }
0xdd: {  	[tilespmem:s22+$0xFFFFFFF0] =	vst v2  }
0xde: {  	v2 =	vld [tilespmem:s19+$0xFFFFFF10]  }
0xdf: {  	v3 =	vld [tilespmem:s19+$0xFFFFFED0]  }
0xe0: {  	v4 =	vld [tilespmem:s19+$0xFFFFFEF0]  }
0xe1: {  	v5 =	vld [tilespmem:s19+$0xFFFFFF30]  }
0xe2: {  	v6 =	vld [tilespmem:s19+$0xFFFFFF50]  }
0xe3: {  	v7 =	vld [tilespmem:s19+$0xFFFFFF70]  }
0xe4: {  	v8 =	vld [tilespmem:s19+$0xFFFFFF90]  }
0xe5: {  	v3 =	vmax.f32 v3, v4;
	v4 =	vld [tilespmem:s19+$0xFFFFFFB0]  }
0xe6: {  	v2 =	vmax.f32 v3, v2;
	v3 =	vld [tilespmem:s19+$0xFFFFFFD0]  }
0xe7: {  	v2 =	vmax.f32 v2, v5;
	v5 =	vld [tilespmem:s19+$0xFFFFFFF0]  }
0xe8: {  	v2 =	vmax.f32 v2, v6;
	v6 =	vld [tilespmem:s19+$0x10]  }
0xe9: {  	v2 =	vmax.f32 v2, v7;
	v7 =	vld [tilespmem:s19+$0x30]  }
0xea: {  	v2 =	vmax.f32 v2, v8;
	v8 =	vld [tilespmem:s19+$0x50]  }
0xeb: {  	v2 =	vmax.f32 v2, v4;
	v4 =	vld [tilespmem:s19+$0x70]  }
0xec: {  	v2 =	vmax.f32 v2, v3;
	v9 =	vld [tilespmem:s19+$0x90]  }
0xed: {  	v2 =	vmax.f32 v2, v5;
	v5 =	vld [tilespmem:s19+$0xB0]  }
0xee: {  	v2 =	vmax.f32 v2, v6;
	v6 =	vld [tilespmem:s19+$0xD0]  }
0xef: {  	v2 =	vmax.f32 v2, v7;
	v7 =	vld [tilespmem:s19+$0xF0]  }
0xf0: {  	v3 =	vmax.f32 v2, v8;
	v2 =	vld [tilespmem:s19+$0x110]  }
.Ltmp15:
0xf1: {  	v4 =	vmax.f32 v3, v4;
	v3 =	vld [tilespmem:s19+$0x130];
	(pc) =	sbr.rel @p2 .LBB2_14-.Ltmp15, $4  }
0xf2: {  	v4 =	vmax.f32 v4, v9  }
0xf3: {  	v4 =	vmax.f32 v4, v5  }
0xf4: {  	v4 =	vmax.f32 v4, v6  }
0xf5: {  	v4 =	vmax.f32 v4, v7  }
.Ltmp16:
0xf6: {  	_ = 	snop;
	(pc) =	sbr.rel .LBB2_15-.Ltmp16, $1  }
0xf7: {  	_ =	sdelay $0x3  }
.LBB2_18:
0xf8: {  	_ =	sfence.sel $0x180000  }
0xf9: {  	[bflag:$0x0] =	sbarrier.arrive $0xFFFF  }
0xfa: {  	p0 =	sne.s32 s4, $0x0;
	_ =	strace $0x90000047  }
0xfb: {  	s0 =	sadd.s32 @!p0 $0x100000, s0;
	[bflag:$0x2] =	sbarrier.arrive $0xFFFF  }
0xfc: {  	[sflag:s0] =	ssyncadd.tile.s32 @!p0 $0x1;
	_ =	shalt  }
.Lfunc_end2:
_tile_overlayer_lowered:
.L_overlay_start_2:
0xfd: {  	(tag) =	ssettag $0x2  }
0xfe: {  	s0 =	rddreg [dreg:$0x0];
	s2 =	stileid.u32  }
0xff: {  	s1 =	rddreg [dreg:$0x1];
	p0 =	sne.s32 s2, $0x0  }
0x100: {  	s3 =	rddreg [dreg:$0x2];
	[bflag:$0x3] =	sbarrier.arrive $0xFFFF;
	s2 =	simm.s32 @!p0 $0x1C02  }
0x101: {  	[timem:s3], [sflag:s2] =	dma.local @!p0 [hbm:s0], s1  }
0x102: {  	s0 =	simm.s32 @!p0 $0x2  }
0x103: {  	_ =	swait.ge @!p0 [sflag:s0], s1  }
0x104: {  	s1 =	ssub.s32 @!p0 $0x0, s1;
	[sflag:s0] =	ssyncset.done @!p0 $0x0  }
0x105: {  	[sflag:s0] =	ssyncadd.s32 @!p0 s1  }
0x106: {  	[bflag:$0x3] =	sbarrier.arrive $0xFFFF  }
0x107: {  	_ =	shalt  }

</sc_bundles>
